<compile_context>
chip_gen: v7x
topology: tpu7x:2x2x1
jax: 0.10.2.dev20260603
libtpu: 0.0.44.dev20260713+nightly
codegen_flags: <defaults>
</compile_context>

<pallas_src>
import functools

import jax
import jax.numpy as jnp
from jax import lax
from jax.experimental import pallas as pl
from jax.experimental.pallas import tpu as pltpu
from jax.experimental.pallas import tpu_sc as plsc

B, H, W, C = 2, 256, 256, 96
N = B * H * W * C
OUT_FLAT = B * H * 2 * W * 2 * C

NC, NS = 2, 16
LANES = 16

CHUNK = 3 * 2 ** 19
NCHUNK = OUT_FLAT // CHUNK
PASSES = NCHUNK // NC

PER_T = N // NS
STAGE = 2048
SITERS = PER_T // STAGE
WCH = CHUNK // NS

BLK = 2048
CB = 10240
NBLK = CB // BLK
NPH = 4
CAPP = CB // NPH
TRASH = CB
CAP = CB + LANES


@functools.partial(
    pl.kernel,
    out_type=jax.ShapeDtypeStruct((OUT_FLAT,), jnp.float32),
    mesh=plsc.VectorSubcoreMesh(core_axis_name="c", subcore_axis_name="s"),
    compiler_params=pltpu.CompilerParams(needs_layout_passes=False),
    scratch_types=[
        pltpu.VMEM((STAGE,), jnp.int32),
        pltpu.VMEM((STAGE,), jnp.int32),
        pltpu.VMEM((STAGE,), jnp.float32),
        pltpu.VMEM((STAGE,), jnp.float32),
        pltpu.VMEM((CAP,), jnp.int32),
        pltpu.VMEM((CAP,), jnp.float32),
        pltpu.VMEM_SHARED((CHUNK,), jnp.float32),
        pltpu.SemaphoreType.DMA,
        pltpu.SemaphoreType.DMA,
    ],
)
def _scatter_add_sc(upd_hbm, mask_hbm, zero_hbm, out_hbm,
                    idx_a, idx_b, val_a, val_b, cb_idx, cb_val, acc,
                    sem_a, sem_b):
    cid = lax.axis_index("c")
    sid = lax.axis_index("s")
    elt0 = sid * PER_T
    iota = lax.iota(jnp.int32, LANES)
    neg1 = jnp.full((LANES,), -1, jnp.int32)
    sixteens = jnp.full((LANES,), LANES, jnp.int32)
    zeros_i = jnp.zeros((LANES,), jnp.int32)
    trash = TRASH + iota
    phase_base = [iota + g * CAPP for g in range(NPH)]

    bufs = ((idx_a, val_a, sem_a), (idx_b, val_b, sem_b))

    def stage_copies(it, bi, bv, sem):
        eoff = elt0 + it * STAGE
        return (
            pltpu.make_async_copy(mask_hbm.at[pl.ds(eoff, STAGE)], bi, sem),
            pltpu.make_async_copy(upd_hbm.at[pl.ds(eoff, STAGE)], bv, sem),
        )

    def cb_reset(j, carry):
        cb_idx[pl.ds(j * LANES, LANES)] = neg1
        return carry

    lax.fori_loop(0, CB // LANES, cb_reset, 0)

    def flush():
        for b in range(NBLK):
            pltpu.sync_copy(
                cb_val.at[pl.ds(b * BLK, BLK)],
                acc.at[plsc.Indices(cb_idx.at[pl.ds(b * BLK, BLK)],
                                    ignored_value=-1)],
                add=True,
            )
        lax.fori_loop(0, CB // LANES, cb_reset, 0)

    def one_pass(p, carry):
        base = (p * NC + cid) * CHUNK

        pltpu.sync_copy(zero_hbm, acc.at[pl.ds(sid * WCH, WCH)])
        plsc.subcore_barrier()

        c0, c1 = stage_copies(0, *bufs[0])
        c0.start(); c1.start()
        c2, c3 = stage_copies(1, *bufs[1])
        c2.start(); c3.start()

        def two_stages(g, cnt):
            for p2 in range(2):
                it = g * 2 + p2
                bi, bv, sem = bufs[p2]
                w0, w1 = stage_copies(it, bi, bv, sem)
                w0.wait(); w1.wait()

                def compact(r, cnts):
                    cnts = list(cnts)
                    for c in range(16):
                        g = c % NPH
                        sl = pl.ds((r * 16 + c) * LANES, LANES)
                        v = bi[sl]
                        w = bv[sl]
                        rel = v - base
                        ok = lax.bitcast_convert_type(rel, jnp.uint32) < CHUNK
                        pos = jnp.where(ok, phase_base[g] + cnts[g], trash)
                        plsc.store_scatter(cb_idx, [pos], rel)
                        plsc.store_scatter(cb_val, [pos], w)
                        cnts[g] = cnts[g] + jnp.where(ok, sixteens, zeros_i)
                    return tuple(cnts)
                cnt = lax.fori_loop(0, STAGE // (16 * LANES), compact, cnt)

                @pl.when(it + 2 < SITERS)
                def _():
                    s0, s1 = stage_copies(it + 2, bi, bv, sem)
                    s0.start(); s1.start()

                mx = jnp.max(jnp.maximum(jnp.maximum(cnt[0], cnt[1]),
                                         jnp.maximum(cnt[2], cnt[3])))
                do_flush = mx >= (CAPP - STAGE // NPH)
                @pl.when(do_flush)
                def _():
                    flush()
                cnt = tuple(jnp.where(do_flush, zeros_i, c_) for c_ in cnt)
            return cnt

        cnt = lax.fori_loop(0, SITERS // 2, two_stages, (zeros_i,) * NPH)
        flush()
        plsc.subcore_barrier()

        pltpu.sync_copy(acc.at[pl.ds(sid * WCH, WCH)],
                        out_hbm.at[pl.ds(base + sid * WCH, WCH)])
        return carry
    lax.fori_loop(0, PASSES, one_pass, 0)


def kernel(updates, mask):
    upd1 = updates.reshape(N)
    msk1 = mask.astype(jnp.int32).reshape(N)
    zero = jnp.zeros((WCH,), jnp.float32)
    ret = _scatter_add_sc(upd1, msk1, zero)
    return ret.reshape(B, H * 2, W * 2, C)

# --- scband reference (transcript-rebuilt; emitter-appended) ---
"""Pipeline reference for scband-max-unpooling2-d-cs-30674656428421 (READ-ONLY COPY).

The authoritative reference and input builder live on the scoring server;
editing this copy changes nothing except your own understanding.
"""

import jax, jax.numpy as jnp
import numpy as np

B, H, W, C = 2, 256, 256, 96
SIZE = (2, 2)
OUT_FLAT = B * H * SIZE[0] * W * SIZE[1] * C

def setup_inputs(seed: int = 0) -> dict:
    key = jax.random.key(seed)
    k1, k2 = jax.random.split(key)
    updates = jax.random.normal(k1, (B, H, W, C), dtype=jnp.float32)
    mask = jax.random.randint(k2, (B, H, W, C), 0, OUT_FLAT, dtype=jnp.int64)
    return {"updates": updates, "mask": mask}

def reference(updates, mask):
    # Faithful translation of MaxUnpooling2D_cs.call:
    # scatter_nd of flattened updates into a flat buffer of size prod(output_shape),
    # then reshape to [-1, H*2, W*2, C]. tf.scatter_nd accumulates duplicates -> .at[].add
    mask = mask.astype(jnp.int32)
    flat_idx = mask.reshape(-1)
    flat_upd = updates.reshape(-1)
    ret = jnp.zeros((OUT_FLAT,), dtype=updates.dtype).at[flat_idx].add(flat_upd)
    out_shape = (-1, H * SIZE[0], W * SIZE[1], C)
    return ret.reshape(out_shape)

if __name__ == "__main__":
    import jax
    _d = setup_inputs()
    print(jax.jit(kernel)(*tuple(_d.values())))

</pallas_src>

<mosaic_0001>
#map = affine_map<(d0, d1) -> (0)>
module attributes {stable_mosaic.version = 14 : i64} {
  func.func @_scatter_add_sc(%arg0: i32, %arg1: i32, %arg2: memref<12582912xf32, #tpu.memory_space<hbm>>, %arg3: memref<12582912xi32, #tpu.memory_space<hbm>>, %arg4: memref<98304xf32, #tpu.memory_space<hbm>>, %arg5: memref<50331648xf32, #tpu.memory_space<hbm>>, %arg6: memref<2048xi32, #tpu.memory_space<vmem>>, %arg7: memref<2048xi32, #tpu.memory_space<vmem>>, %arg8: memref<2048xf32, #tpu.memory_space<vmem>>, %arg9: memref<2048xf32, #tpu.memory_space<vmem>>, %arg10: memref<10256xi32, #tpu.memory_space<vmem>>, %arg11: memref<10256xf32, #tpu.memory_space<vmem>>, %arg12: memref<1572864xf32, #tpu.memory_space<vmem_shared>>, %arg13: memref<!tpu.dma_semaphore, #tpu.memory_space<semaphore_mem>>, %arg14: memref<!tpu.dma_semaphore, #tpu.memory_space<semaphore_mem>>) attributes {dimension_semantics = [#tpu.dimension_semantics<core_parallel>, #tpu.dimension_semantics<subcore_parallel>], iteration_bounds = array<i64: 2, 16>, scalar_prefetch = 0 : i64, scratch_operands = 9 : i64, tpu.core_type = #tpu.core_type<sc_vector_subcore>, window_params = [{transform_indices = #map}, {transform_indices = #map}, {transform_indices = #map}, {transform_indices = #map}]} {
    %mul3A = arith.constant 786432 : i32
    %mul3A_0 = arith.muli %arg1, %mul3A : i32
    %iota3A = tpu.iota {dimensions = array<i32: 0>} : vector<16xi32>
    %broadcast_in_dim3A = arith.constant -1 : i32
    %broadcast_in_dim3A_1 = vector.broadcast %broadcast_in_dim3A : i32 to vector<16xi32>
    %broadcast_in_dim3A_2 = arith.constant 16 : i32
    %broadcast_in_dim3A_3 = vector.broadcast %broadcast_in_dim3A_2 : i32 to vector<16xi32>
    %broadcast_in_dim3A_4 = arith.constant 0 : i32
    %broadcast_in_dim3A_5 = vector.broadcast %broadcast_in_dim3A_4 : i32 to vector<16xi32>
    %add3A = arith.constant 10240 : i32
    %add3A_6 = vector.broadcast %add3A : i32 to vector<16xi32>
    %add3A_7 = arith.addi %add3A_6, %iota3A : vector<16xi32>
    %add3A_8 = arith.constant 0 : i32
    %add3A_9 = vector.broadcast %add3A_8 : i32 to vector<16xi32>
    %add3A_10 = arith.addi %iota3A, %add3A_9 : vector<16xi32>
    %add3A_11 = arith.constant 2560 : i32
    %add3A_12 = vector.broadcast %add3A_11 : i32 to vector<16xi32>
    %add3A_13 = arith.addi %iota3A, %add3A_12 : vector<16xi32>
    %add3A_14 = arith.constant 5120 : i32
    %add3A_15 = vector.broadcast %add3A_14 : i32 to vector<16xi32>
    %add3A_16 = arith.addi %iota3A, %add3A_15 : vector<16xi32>
    %add3A_17 = arith.constant 7680 : i32
    %add3A_18 = vector.broadcast %add3A_17 : i32 to vector<16xi32>
    %add3A_19 = arith.addi %iota3A, %add3A_18 : vector<16xi32>
    %scan3A = arith.constant 0 : i32
    %scan3A_20 = arith.constant 0 : i32
    %scan3A_21 = arith.constant 640 : i32
    %scan3A_22 = arith.addi %scan3A_20, %scan3A_21 : i32
    %scan3A_23 = arith.constant 1 : i32
    scf.for %scan3A_31 = %scan3A_20 to %scan3A_22 step %scan3A_23  : i32 {
      %mul3A_32 = arith.constant 16 : i32
      %mul3A_33 = arith.muli %scan3A_31, %mul3A_32 : i32
      %swap3A = arith.index_cast %mul3A_33 : i32 to index
      %swap3A_34 = tpu.vector_load %arg10[%swap3A] {strides = array<i32>} : memref<10256xi32, #tpu.memory_space<vmem>>, vector<16xi32>,
      tpu.vector_store %arg10[%swap3A], %broadcast_in_dim3A_1 {strides = array<i32>} : memref<10256xi32, #tpu.memory_space<vmem>>, vector<16xi32>,
    }
    %scan3A_24 = arith.constant 640 : i32
    %scan3A_25 = arith.constant 0 : i32
    %scan3A_26 = arith.constant 0 : i32
    %scan3A_27 = arith.constant 16 : i32
    %scan3A_28 = arith.addi %scan3A_26, %scan3A_27 : i32
    %scan3A_29 = arith.constant 1 : i32
    scf.for %scan3A_31 = %scan3A_26 to %scan3A_28 step %scan3A_29  : i32 {
      %mul3A_32 = arith.constant 2 : i32
      %mul3A_33 = arith.muli %scan3A_31, %mul3A_32 : i32
      %add3A_34 = arith.addi %mul3A_33, %arg0 : i32
      %mul3A_35 = arith.constant 1572864 : i32
      %mul3A_36 = arith.muli %add3A_34, %mul3A_35 : i32
      %mul3A_37 = arith.constant 98304 : i32
      %mul3A_38 = arith.muli %arg1, %mul3A_37 : i32
      "tpu.region"() ({
        %run_scoped3A = tpu.sem_alloc : memref<!tpu.dma_semaphore, #tpu.memory_space<semaphore_mem>>
        %dma_start3A_68 = tpu.memref_slice %arg12[%mul3A_38] : memref<1572864xf32, #tpu.memory_space<vmem_shared>> -> memref<98304xf32, #tpu.memory_space<vmem_shared>>
        tpu.enqueue_dma source(%arg4 : memref<98304xf32, #tpu.memory_space<hbm>>) target(%dma_start3A_68 : memref<98304xf32, #tpu.memory_space<vmem_shared>>) target_semaphore(%run_scoped3A : memref<!tpu.dma_semaphore, #tpu.memory_space<semaphore_mem>>)
        %dma_wait3A = tpu.memref_slice %arg12[%mul3A_38] : memref<1572864xf32, #tpu.memory_space<vmem_shared>> -> memref<98304xf32, #tpu.memory_space<vmem_shared>>
        tpu.wait_dma2 semaphore(%run_scoped3A : memref<!tpu.dma_semaphore, #tpu.memory_space<semaphore_mem>>) src(%arg4 : memref<98304xf32, #tpu.memory_space<hbm>>) dst(%dma_wait3A : memref<98304xf32, #tpu.memory_space<vmem_shared>>)
        tpu.yield
      }) : () -> ()
      %barrier3A = arith.constant 0 : index
      tpu.barrier barrier_id(%barrier3A)
      %add3A_39 = arith.constant 0 : i32
      %add3A_40 = arith.addi %mul3A_0, %add3A_39 : i32
      %dma_start3A = tpu.memref_slice %arg3[%add3A_40] : memref<12582912xi32, #tpu.memory_space<hbm>> -> memref<2048xi32, #tpu.memory_space<hbm>>
      %dma_start3A_41 = tpu.memref_slice %arg3[%add3A_40] : memref<12582912xi32, #tpu.memory_space<hbm>> -> memref<2048xi32, #tpu.memory_space<hbm>>
      tpu.enqueue_dma source(%dma_start3A_41 : memref<2048xi32, #tpu.memory_space<hbm>>) target(%arg6 : memref<2048xi32, #tpu.memory_space<vmem>>) target_semaphore(%arg13 : memref<!tpu.dma_semaphore, #tpu.memory_space<semaphore_mem>>)
      %dma_start3A_42 = tpu.memref_slice %arg2[%add3A_40] : memref<12582912xf32, #tpu.memory_space<hbm>> -> memref<2048xf32, #tpu.memory_space<hbm>>
      %dma_start3A_43 = tpu.memref_slice %arg2[%add3A_40] : memref<12582912xf32, #tpu.memory_space<hbm>> -> memref<2048xf32, #tpu.memory_space<hbm>>
      tpu.enqueue_dma source(%dma_start3A_43 : memref<2048xf32, #tpu.memory_space<hbm>>) target(%arg8 : memref<2048xf32, #tpu.memory_space<vmem>>) target_semaphore(%arg13 : memref<!tpu.dma_semaphore, #tpu.memory_space<semaphore_mem>>)
      %add3A_44 = arith.constant 2048 : i32
      %add3A_45 = arith.addi %mul3A_0, %add3A_44 : i32
      %dma_start3A_46 = tpu.memref_slice %arg3[%add3A_45] : memref<12582912xi32, #tpu.memory_space<hbm>> -> memref<2048xi32, #tpu.memory_space<hbm>>
      %dma_start3A_47 = tpu.memref_slice %arg3[%add3A_45] : memref<12582912xi32, #tpu.memory_space<hbm>> -> memref<2048xi32, #tpu.memory_space<hbm>>
      tpu.enqueue_dma source(%dma_start3A_47 : memref<2048xi32, #tpu.memory_space<hbm>>) target(%arg7 : memref<2048xi32, #tpu.memory_space<vmem>>) target_semaphore(%arg14 : memref<!tpu.dma_semaphore, #tpu.memory_space<semaphore_mem>>)
      %dma_start3A_48 = tpu.memref_slice %arg2[%add3A_45] : memref<12582912xf32, #tpu.memory_space<hbm>> -> memref<2048xf32, #tpu.memory_space<hbm>>
      %dma_start3A_49 = tpu.memref_slice %arg2[%add3A_45] : memref<12582912xf32, #tpu.memory_space<hbm>> -> memref<2048xf32, #tpu.memory_space<hbm>>
      tpu.enqueue_dma source(%dma_start3A_49 : memref<2048xf32, #tpu.memory_space<hbm>>) target(%arg9 : memref<2048xf32, #tpu.memory_space<vmem>>) target_semaphore(%arg14 : memref<!tpu.dma_semaphore, #tpu.memory_space<semaphore_mem>>)
      %scan3A_50 = arith.constant 0 : i32
      %scan3A_51 = arith.constant 192 : i32
      %scan3A_52 = arith.addi %scan3A_50, %scan3A_51 : i32
      %scan3A_53 = arith.constant 1 : i32
      %scan3A_54:4 = scf.for %scan3A_68 = %scan3A_50 to %scan3A_52 step %scan3A_53 iter_args(%scan3A_69 = %broadcast_in_dim3A_5, %scan3A_70 = %broadcast_in_dim3A_5, %scan3A_71 = %broadcast_in_dim3A_5, %scan3A_72 = %broadcast_in_dim3A_5) -> (vector<16xi32>, vector<16xi32>, vector<16xi32>, vector<16xi32>)  : i32 {
        %mul3A_73 = arith.constant 2 : i32
        %mul3A_74 = arith.muli %scan3A_68, %mul3A_73 : i32
        %add3A_75 = arith.constant 0 : i32
        %add3A_76 = arith.addi %mul3A_74, %add3A_75 : i32
        %mul3A_77 = arith.constant 2048 : i32
        %mul3A_78 = arith.muli %add3A_76, %mul3A_77 : i32
        %add3A_79 = arith.addi %mul3A_0, %mul3A_78 : i32
        %dma_wait3A = tpu.memref_slice %arg3[%add3A_79] : memref<12582912xi32, #tpu.memory_space<hbm>> -> memref<2048xi32, #tpu.memory_space<hbm>>
        %dma_wait3A_80 = tpu.memref_slice %arg3[%add3A_79] : memref<12582912xi32, #tpu.memory_space<hbm>> -> memref<2048xi32, #tpu.memory_space<hbm>>
        tpu.wait_dma2 semaphore(%arg13 : memref<!tpu.dma_semaphore, #tpu.memory_space<semaphore_mem>>) src(%dma_wait3A_80 : memref<2048xi32, #tpu.memory_space<hbm>>) dst(%arg6 : memref<2048xi32, #tpu.memory_space<vmem>>)
        %dma_wait3A_81 = tpu.memref_slice %arg2[%add3A_79] : memref<12582912xf32, #tpu.memory_space<hbm>> -> memref<2048xf32, #tpu.memory_space<hbm>>
        %dma_wait3A_82 = tpu.memref_slice %arg2[%add3A_79] : memref<12582912xf32, #tpu.memory_space<hbm>> -> memref<2048xf32, #tpu.memory_space<hbm>>
        tpu.wait_dma2 semaphore(%arg13 : memref<!tpu.dma_semaphore, #tpu.memory_space<semaphore_mem>>) src(%dma_wait3A_82 : memref<2048xf32, #tpu.memory_space<hbm>>) dst(%arg8 : memref<2048xf32, #tpu.memory_space<vmem>>)
        %scan3A_83 = arith.constant 0 : i32
        %scan3A_84 = arith.constant 8 : i32
        %scan3A_85 = arith.addi %scan3A_83, %scan3A_84 : i32
        %scan3A_86 = arith.constant 1 : i32
        %scan3A_87:4 = scf.for %scan3A_153 = %scan3A_83 to %scan3A_85 step %scan3A_86 iter_args(%scan3A_154 = %scan3A_69, %scan3A_155 = %scan3A_70, %scan3A_156 = %scan3A_71, %scan3A_157 = %scan3A_72) -> (vector<16xi32>, vector<16xi32>, vector<16xi32>, vector<16xi32>)  : i32 {
          %mul3A_158 = arith.constant 16 : i32
          %mul3A_159 = arith.muli %scan3A_153, %mul3A_158 : i32
          %add3A_160 = arith.constant 0 : i32
          %add3A_161 = arith.addi %mul3A_159, %add3A_160 : i32
          %mul3A_162 = arith.constant 16 : i32
          %mul3A_163 = arith.muli %add3A_161, %mul3A_162 : i32
          %get3A = arith.index_cast %mul3A_163 : i32 to index
          %get3A_164 = tpu.vector_load %arg6[%get3A] {strides = array<i32>} : memref<2048xi32, #tpu.memory_space<vmem>>, vector<16xi32>,
          %get3A_165 = arith.index_cast %mul3A_163 : i32 to index
          %get3A_166 = tpu.vector_load %arg8[%get3A_165] {strides = array<i32>} : memref<2048xf32, #tpu.memory_space<vmem>>, vector<16xf32>,
          %sub3A = vector.broadcast %mul3A_36 : i32 to vector<16xi32>
          %sub3A_167 = arith.subi %get3A_164, %sub3A : vector<16xi32>
          %bitcast_convert_type3A = tpu.bitcast %sub3A_167 : vector<16xi32> -> vector<16xi32>
          %lt3A_168 = arith.constant 1572864 : i32
          %lt3A_169 = vector.broadcast %lt3A_168 : i32 to vector<16xi32>
          %lt3A_170 = arith.cmpi ult, %bitcast_convert_type3A, %lt3A_169 : vector<16xi32>
          %add3A_171 = arith.addi %add3A_10, %scan3A_154 : vector<16xi32>
          %select_n3A_172 = arith.select %lt3A_170, %add3A_171, %add3A_7 : vector<16xi1>, vector<16xi32>
          tpu.vector_store_idx %arg10[%select_n3A_172], %sub3A_167 : memref<10256xi32, #tpu.memory_space<vmem>>[vector<16xi32>], vector<16xi32>,
          tpu.vector_store_idx %arg11[%select_n3A_172], %get3A_166 : memref<10256xf32, #tpu.memory_space<vmem>>[vector<16xi32>], vector<16xf32>,
          %select_n3A_173 = arith.select %lt3A_170, %broadcast_in_dim3A_3, %broadcast_in_dim3A_5 : vector<16xi1>, vector<16xi32>
          %add3A_174 = arith.addi %scan3A_154, %select_n3A_173 : vector<16xi32>
          %mul3A_175 = arith.constant 16 : i32
          %mul3A_176 = arith.muli %scan3A_153, %mul3A_175 : i32
          %add3A_177 = arith.constant 1 : i32
          %add3A_178 = arith.addi %mul3A_176, %add3A_177 : i32
          %mul3A_179 = arith.constant 16 : i32
          %mul3A_180 = arith.muli %add3A_178, %mul3A_179 : i32
          %get3A_181 = arith.index_cast %mul3A_180 : i32 to index
          %get3A_182 = tpu.vector_load %arg6[%get3A_181] {strides = array<i32>} : memref<2048xi32, #tpu.memory_space<vmem>>, vector<16xi32>,
          %get3A_183 = arith.index_cast %mul3A_180 : i32 to index
          %get3A_184 = tpu.vector_load %arg8[%get3A_183] {strides = array<i32>} : memref<2048xf32, #tpu.memory_space<vmem>>, vector<16xf32>,
          %sub3A_185 = vector.broadcast %mul3A_36 : i32 to vector<16xi32>
          %sub3A_186 = arith.subi %get3A_182, %sub3A_185 : vector<16xi32>
          %bitcast_convert_type3A_187 = tpu.bitcast %sub3A_186 : vector<16xi32> -> vector<16xi32>
          %lt3A_188 = arith.constant 1572864 : i32
          %lt3A_189 = vector.broadcast %lt3A_188 : i32 to vector<16xi32>
          %lt3A_190 = arith.cmpi ult, %bitcast_convert_type3A_187, %lt3A_189 : vector<16xi32>
          %add3A_191 = arith.addi %add3A_13, %scan3A_155 : vector<16xi32>
          %select_n3A_192 = arith.select %lt3A_190, %add3A_191, %add3A_7 : vector<16xi1>, vector<16xi32>
          tpu.vector_store_idx %arg10[%select_n3A_192], %sub3A_186 : memref<10256xi32, #tpu.memory_space<vmem>>[vector<16xi32>], vector<16xi32>,
          tpu.vector_store_idx %arg11[%select_n3A_192], %get3A_184 : memref<10256xf32, #tpu.memory_space<vmem>>[vector<16xi32>], vector<16xf32>,
          %select_n3A_193 = arith.select %lt3A_190, %broadcast_in_dim3A_3, %broadcast_in_dim3A_5 : vector<16xi1>, vector<16xi32>
          %add3A_194 = arith.addi %scan3A_155, %select_n3A_193 : vector<16xi32>
          %mul3A_195 = arith.constant 16 : i32
          %mul3A_196 = arith.muli %scan3A_153, %mul3A_195 : i32
          %add3A_197 = arith.constant 2 : i32
          %add3A_198 = arith.addi %mul3A_196, %add3A_197 : i32
          %mul3A_199 = arith.constant 16 : i32
          %mul3A_200 = arith.muli %add3A_198, %mul3A_199 : i32
          %get3A_201 = arith.index_cast %mul3A_200 : i32 to index
          %get3A_202 = tpu.vector_load %arg6[%get3A_201] {strides = array<i32>} : memref<2048xi32, #tpu.memory_space<vmem>>, vector<16xi32>,
          %get3A_203 = arith.index_cast %mul3A_200 : i32 to index
          %get3A_204 = tpu.vector_load %arg8[%get3A_203] {strides = array<i32>} : memref<2048xf32, #tpu.memory_space<vmem>>, vector<16xf32>,
          %sub3A_205 = vector.broadcast %mul3A_36 : i32 to vector<16xi32>
          %sub3A_206 = arith.subi %get3A_202, %sub3A_205 : vector<16xi32>
          %bitcast_convert_type3A_207 = tpu.bitcast %sub3A_206 : vector<16xi32> -> vector<16xi32>
          %lt3A_208 = arith.constant 1572864 : i32
          %lt3A_209 = vector.broadcast %lt3A_208 : i32 to vector<16xi32>
          %lt3A_210 = arith.cmpi ult, %bitcast_convert_type3A_207, %lt3A_209 : vector<16xi32>
          %add3A_211 = arith.addi %add3A_16, %scan3A_156 : vector<16xi32>
          %select_n3A_212 = arith.select %lt3A_210, %add3A_211, %add3A_7 : vector<16xi1>, vector<16xi32>
          tpu.vector_store_idx %arg10[%select_n3A_212], %sub3A_206 : memref<10256xi32, #tpu.memory_space<vmem>>[vector<16xi32>], vector<16xi32>,
          tpu.vector_store_idx %arg11[%select_n3A_212], %get3A_204 : memref<10256xf32, #tpu.memory_space<vmem>>[vector<16xi32>], vector<16xf32>,
          %select_n3A_213 = arith.select %lt3A_210, %broadcast_in_dim3A_3, %broadcast_in_dim3A_5 : vector<16xi1>, vector<16xi32>
          %add3A_214 = arith.addi %scan3A_156, %select_n3A_213 : vector<16xi32>
          %mul3A_215 = arith.constant 16 : i32
          %mul3A_216 = arith.muli %scan3A_153, %mul3A_215 : i32
          %add3A_217 = arith.constant 3 : i32
          %add3A_218 = arith.addi %mul3A_216, %add3A_217 : i32
          %mul3A_219 = arith.constant 16 : i32
          %mul3A_220 = arith.muli %add3A_218, %mul3A_219 : i32
          %get3A_221 = arith.index_cast %mul3A_220 : i32 to index
          %get3A_222 = tpu.vector_load %arg6[%get3A_221] {strides = array<i32>} : memref<2048xi32, #tpu.memory_space<vmem>>, vector<16xi32>,
          %get3A_223 = arith.index_cast %mul3A_220 : i32 to index
          %get3A_224 = tpu.vector_load %arg8[%get3A_223] {strides = array<i32>} : memref<2048xf32, #tpu.memory_space<vmem>>, vector<16xf32>,
          %sub3A_225 = vector.broadcast %mul3A_36 : i32 to vector<16xi32>
          %sub3A_226 = arith.subi %get3A_222, %sub3A_225 : vector<16xi32>
          %bitcast_convert_type3A_227 = tpu.bitcast %sub3A_226 : vector<16xi32> -> vector<16xi32>
          %lt3A_228 = arith.constant 1572864 : i32
          %lt3A_229 = vector.broadcast %lt3A_228 : i32 to vector<16xi32>
          %lt3A_230 = arith.cmpi ult, %bitcast_convert_type3A_227, %lt3A_229 : vector<16xi32>
          %add3A_231 = arith.addi %add3A_19, %scan3A_157 : vector<16xi32>
          %select_n3A_232 = arith.select %lt3A_230, %add3A_231, %add3A_7 : vector<16xi1>, vector<16xi32>
          tpu.vector_store_idx %arg10[%select_n3A_232], %sub3A_226 : memref<10256xi32, #tpu.memory_space<vmem>>[vector<16xi32>], vector<16xi32>,
          tpu.vector_store_idx %arg11[%select_n3A_232], %get3A_224 : memref<10256xf32, #tpu.memory_space<vmem>>[vector<16xi32>], vector<16xf32>,
          %select_n3A_233 = arith.select %lt3A_230, %broadcast_in_dim3A_3, %broadcast_in_dim3A_5 : vector<16xi1>, vector<16xi32>
          %add3A_234 = arith.addi %scan3A_157, %select_n3A_233 : vector<16xi32>
          %mul3A_235 = arith.constant 16 : i32
          %mul3A_236 = arith.muli %scan3A_153, %mul3A_235 : i32
          %add3A_237 = arith.constant 4 : i32
          %add3A_238 = arith.addi %mul3A_236, %add3A_237 : i32
          %mul3A_239 = arith.constant 16 : i32
          %mul3A_240 = arith.muli %add3A_238, %mul3A_239 : i32
          %get3A_241 = arith.index_cast %mul3A_240 : i32 to index
          %get3A_242 = tpu.vector_load %arg6[%get3A_241] {strides = array<i32>} : memref<2048xi32, #tpu.memory_space<vmem>>, vector<16xi32>,
          %get3A_243 = arith.index_cast %mul3A_240 : i32 to index
          %get3A_244 = tpu.vector_load %arg8[%get3A_243] {strides = array<i32>} : memref<2048xf32, #tpu.memory_space<vmem>>, vector<16xf32>,
          %sub3A_245 = vector.broadcast %mul3A_36 : i32 to vector<16xi32>
          %sub3A_246 = arith.subi %get3A_242, %sub3A_245 : vector<16xi32>
          %bitcast_convert_type3A_247 = tpu.bitcast %sub3A_246 : vector<16xi32> -> vector<16xi32>
          %lt3A_248 = arith.constant 1572864 : i32
          %lt3A_249 = vector.broadcast %lt3A_248 : i32 to vector<16xi32>
          %lt3A_250 = arith.cmpi ult, %bitcast_convert_type3A_247, %lt3A_249 : vector<16xi32>
          %add3A_251 = arith.addi %add3A_10, %add3A_174 : vector<16xi32>
          %select_n3A_252 = arith.select %lt3A_250, %add3A_251, %add3A_7 : vector<16xi1>, vector<16xi32>
          tpu.vector_store_idx %arg10[%select_n3A_252], %sub3A_246 : memref<10256xi32, #tpu.memory_space<vmem>>[vector<16xi32>], vector<16xi32>,
          tpu.vector_store_idx %arg11[%select_n3A_252], %get3A_244 : memref<10256xf32, #tpu.memory_space<vmem>>[vector<16xi32>], vector<16xf32>,
          %select_n3A_253 = arith.select %lt3A_250, %broadcast_in_dim3A_3, %broadcast_in_dim3A_5 : vector<16xi1>, vector<16xi32>
          %add3A_254 = arith.addi %add3A_174, %select_n3A_253 : vector<16xi32>
          %mul3A_255 = arith.constant 16 : i32
          %mul3A_256 = arith.muli %scan3A_153, %mul3A_255 : i32
          %add3A_257 = arith.constant 5 : i32
          %add3A_258 = arith.addi %mul3A_256, %add3A_257 : i32
          %mul3A_259 = arith.constant 16 : i32
          %mul3A_260 = arith.muli %add3A_258, %mul3A_259 : i32
          %get3A_261 = arith.index_cast %mul3A_260 : i32 to index
          %get3A_262 = tpu.vector_load %arg6[%get3A_261] {strides = array<i32>} : memref<2048xi32, #tpu.memory_space<vmem>>, vector<16xi32>,
          %get3A_263 = arith.index_cast %mul3A_260 : i32 to index
          %get3A_264 = tpu.vector_load %arg8[%get3A_263] {strides = array<i32>} : memref<2048xf32, #tpu.memory_space<vmem>>, vector<16xf32>,
          %sub3A_265 = vector.broadcast %mul3A_36 : i32 to vector<16xi32>
          %sub3A_266 = arith.subi %get3A_262, %sub3A_265 : vector<16xi32>
          %bitcast_convert_type3A_267 = tpu.bitcast %sub3A_266 : vector<16xi32> -> vector<16xi32>
          %lt3A_268 = arith.constant 1572864 : i32
          %lt3A_269 = vector.broadcast %lt3A_268 : i32 to vector<16xi32>
          %lt3A_270 = arith.cmpi ult, %bitcast_convert_type3A_267, %lt3A_269 : vector<16xi32>
          %add3A_271 = arith.addi %add3A_13, %add3A_194 : vector<16xi32>
          %select_n3A_272 = arith.select %lt3A_270, %add3A_271, %add3A_7 : vector<16xi1>, vector<16xi32>
          tpu.vector_store_idx %arg10[%select_n3A_272], %sub3A_266 : memref<10256xi32, #tpu.memory_space<vmem>>[vector<16xi32>], vector<16xi32>,
          tpu.vector_store_idx %arg11[%select_n3A_272], %get3A_264 : memref<10256xf32, #tpu.memory_space<vmem>>[vector<16xi32>], vector<16xf32>,
          %select_n3A_273 = arith.select %lt3A_270, %broadcast_in_dim3A_3, %broadcast_in_dim3A_5 : vector<16xi1>, vector<16xi32>
          %add3A_274 = arith.addi %add3A_194, %select_n3A_273 : vector<16xi32>
          %mul3A_275 = arith.constant 16 : i32
          %mul3A_276 = arith.muli %scan3A_153, %mul3A_275 : i32
          %add3A_277 = arith.constant 6 : i32
          %add3A_278 = arith.addi %mul3A_276, %add3A_277 : i32
          %mul3A_279 = arith.constant 16 : i32
          %mul3A_280 = arith.muli %add3A_278, %mul3A_279 : i32
          %get3A_281 = arith.index_cast %mul3A_280 : i32 to index
          %get3A_282 = tpu.vector_load %arg6[%get3A_281] {strides = array<i32>} : memref<2048xi32, #tpu.memory_space<vmem>>, vector<16xi32>,
          %get3A_283 = arith.index_cast %mul3A_280 : i32 to index
          %get3A_284 = tpu.vector_load %arg8[%get3A_283] {strides = array<i32>} : memref<2048xf32, #tpu.memory_space<vmem>>, vector<16xf32>,
          %sub3A_285 = vector.broadcast %mul3A_36 : i32 to vector<16xi32>
          %sub3A_286 = arith.subi %get3A_282, %sub3A_285 : vector<16xi32>
          %bitcast_convert_type3A_287 = tpu.bitcast %sub3A_286 : vector<16xi32> -> vector<16xi32>
          %lt3A_288 = arith.constant 1572864 : i32
          %lt3A_289 = vector.broadcast %lt3A_288 : i32 to vector<16xi32>
          %lt3A_290 = arith.cmpi ult, %bitcast_convert_type3A_287, %lt3A_289 : vector<16xi32>
          %add3A_291 = arith.addi %add3A_16, %add3A_214 : vector<16xi32>
          %select_n3A_292 = arith.select %lt3A_290, %add3A_291, %add3A_7 : vector<16xi1>, vector<16xi32>
          tpu.vector_store_idx %arg10[%select_n3A_292], %sub3A_286 : memref<10256xi32, #tpu.memory_space<vmem>>[vector<16xi32>], vector<16xi32>,
          tpu.vector_store_idx %arg11[%select_n3A_292], %get3A_284 : memref<10256xf32, #tpu.memory_space<vmem>>[vector<16xi32>], vector<16xf32>,
          %select_n3A_293 = arith.select %lt3A_290, %broadcast_in_dim3A_3, %broadcast_in_dim3A_5 : vector<16xi1>, vector<16xi32>
          %add3A_294 = arith.addi %add3A_214, %select_n3A_293 : vector<16xi32>
          %mul3A_295 = arith.constant 16 : i32
          %mul3A_296 = arith.muli %scan3A_153, %mul3A_295 : i32
          %add3A_297 = arith.constant 7 : i32
          %add3A_298 = arith.addi %mul3A_296, %add3A_297 : i32
          %mul3A_299 = arith.constant 16 : i32
          %mul3A_300 = arith.muli %add3A_298, %mul3A_299 : i32
          %get3A_301 = arith.index_cast %mul3A_300 : i32 to index
          %get3A_302 = tpu.vector_load %arg6[%get3A_301] {strides = array<i32>} : memref<2048xi32, #tpu.memory_space<vmem>>, vector<16xi32>,
          %get3A_303 = arith.index_cast %mul3A_300 : i32 to index
          %get3A_304 = tpu.vector_load %arg8[%get3A_303] {strides = array<i32>} : memref<2048xf32, #tpu.memory_space<vmem>>, vector<16xf32>,
          %sub3A_305 = vector.broadcast %mul3A_36 : i32 to vector<16xi32>
          %sub3A_306 = arith.subi %get3A_302, %sub3A_305 : vector<16xi32>
          %bitcast_convert_type3A_307 = tpu.bitcast %sub3A_306 : vector<16xi32> -> vector<16xi32>
          %lt3A_308 = arith.constant 1572864 : i32
          %lt3A_309 = vector.broadcast %lt3A_308 : i32 to vector<16xi32>
          %lt3A_310 = arith.cmpi ult, %bitcast_convert_type3A_307, %lt3A_309 : vector<16xi32>
          %add3A_311 = arith.addi %add3A_19, %add3A_234 : vector<16xi32>
          %select_n3A_312 = arith.select %lt3A_310, %add3A_311, %add3A_7 : vector<16xi1>, vector<16xi32>
          tpu.vector_store_idx %arg10[%select_n3A_312], %sub3A_306 : memref<10256xi32, #tpu.memory_space<vmem>>[vector<16xi32>], vector<16xi32>,
          tpu.vector_store_idx %arg11[%select_n3A_312], %get3A_304 : memref<10256xf32, #tpu.memory_space<vmem>>[vector<16xi32>], vector<16xf32>,
          %select_n3A_313 = arith.select %lt3A_310, %broadcast_in_dim3A_3, %broadcast_in_dim3A_5 : vector<16xi1>, vector<16xi32>
          %add3A_314 = arith.addi %add3A_234, %select_n3A_313 : vector<16xi32>
          %mul3A_315 = arith.constant 16 : i32
          %mul3A_316 = arith.muli %scan3A_153, %mul3A_315 : i32
          %add3A_317 = arith.constant 8 : i32
          %add3A_318 = arith.addi %mul3A_316, %add3A_317 : i32
          %mul3A_319 = arith.constant 16 : i32
          %mul3A_320 = arith.muli %add3A_318, %mul3A_319 : i32
          %get3A_321 = arith.index_cast %mul3A_320 : i32 to index
          %get3A_322 = tpu.vector_load %arg6[%get3A_321] {strides = array<i32>} : memref<2048xi32, #tpu.memory_space<vmem>>, vector<16xi32>,
          %get3A_323 = arith.index_cast %mul3A_320 : i32 to index
          %get3A_324 = tpu.vector_load %arg8[%get3A_323] {strides = array<i32>} : memref<2048xf32, #tpu.memory_space<vmem>>, vector<16xf32>,
          %sub3A_325 = vector.broadcast %mul3A_36 : i32 to vector<16xi32>
          %sub3A_326 = arith.subi %get3A_322, %sub3A_325 : vector<16xi32>
          %bitcast_convert_type3A_327 = tpu.bitcast %sub3A_326 : vector<16xi32> -> vector<16xi32>
          %lt3A_328 = arith.constant 1572864 : i32
          %lt3A_329 = vector.broadcast %lt3A_328 : i32 to vector<16xi32>
          %lt3A_330 = arith.cmpi ult, %bitcast_convert_type3A_327, %lt3A_329 : vector<16xi32>
          %add3A_331 = arith.addi %add3A_10, %add3A_254 : vector<16xi32>
          %select_n3A_332 = arith.select %lt3A_330, %add3A_331, %add3A_7 : vector<16xi1>, vector<16xi32>
          tpu.vector_store_idx %arg10[%select_n3A_332], %sub3A_326 : memref<10256xi32, #tpu.memory_space<vmem>>[vector<16xi32>], vector<16xi32>,
          tpu.vector_store_idx %arg11[%select_n3A_332], %get3A_324 : memref<10256xf32, #tpu.memory_space<vmem>>[vector<16xi32>], vector<16xf32>,
          %select_n3A_333 = arith.select %lt3A_330, %broadcast_in_dim3A_3, %broadcast_in_dim3A_5 : vector<16xi1>, vector<16xi32>
          %add3A_334 = arith.addi %add3A_254, %select_n3A_333 : vector<16xi32>
          %mul3A_335 = arith.constant 16 : i32
          %mul3A_336 = arith.muli %scan3A_153, %mul3A_335 : i32
          %add3A_337 = arith.constant 9 : i32
          %add3A_338 = arith.addi %mul3A_336, %add3A_337 : i32
          %mul3A_339 = arith.constant 16 : i32
          %mul3A_340 = arith.muli %add3A_338, %mul3A_339 : i32
          %get3A_341 = arith.index_cast %mul3A_340 : i32 to index
          %get3A_342 = tpu.vector_load %arg6[%get3A_341] {strides = array<i32>} : memref<2048xi32, #tpu.memory_space<vmem>>, vector<16xi32>,
          %get3A_343 = arith.index_cast %mul3A_340 : i32 to index
          %get3A_344 = tpu.vector_load %arg8[%get3A_343] {strides = array<i32>} : memref<2048xf32, #tpu.memory_space<vmem>>, vector<16xf32>,
          %sub3A_345 = vector.broadcast %mul3A_36 : i32 to vector<16xi32>
          %sub3A_346 = arith.subi %get3A_342, %sub3A_345 : vector<16xi32>
          %bitcast_convert_type3A_347 = tpu.bitcast %sub3A_346 : vector<16xi32> -> vector<16xi32>
          %lt3A_348 = arith.constant 1572864 : i32
          %lt3A_349 = vector.broadcast %lt3A_348 : i32 to vector<16xi32>
          %lt3A_350 = arith.cmpi ult, %bitcast_convert_type3A_347, %lt3A_349 : vector<16xi32>
          %add3A_351 = arith.addi %add3A_13, %add3A_274 : vector<16xi32>
          %select_n3A_352 = arith.select %lt3A_350, %add3A_351, %add3A_7 : vector<16xi1>, vector<16xi32>
          tpu.vector_store_idx %arg10[%select_n3A_352], %sub3A_346 : memref<10256xi32, #tpu.memory_space<vmem>>[vector<16xi32>], vector<16xi32>,
          tpu.vector_store_idx %arg11[%select_n3A_352], %get3A_344 : memref<10256xf32, #tpu.memory_space<vmem>>[vector<16xi32>], vector<16xf32>,
          %select_n3A_353 = arith.select %lt3A_350, %broadcast_in_dim3A_3, %broadcast_in_dim3A_5 : vector<16xi1>, vector<16xi32>
          %add3A_354 = arith.addi %add3A_274, %select_n3A_353 : vector<16xi32>
          %mul3A_355 = arith.constant 16 : i32
          %mul3A_356 = arith.muli %scan3A_153, %mul3A_355 : i32
          %add3A_357 = arith.constant 10 : i32
          %add3A_358 = arith.addi %mul3A_356, %add3A_357 : i32
          %mul3A_359 = arith.constant 16 : i32
          %mul3A_360 = arith.muli %add3A_358, %mul3A_359 : i32
          %get3A_361 = arith.index_cast %mul3A_360 : i32 to index
          %get3A_362 = tpu.vector_load %arg6[%get3A_361] {strides = array<i32>} : memref<2048xi32, #tpu.memory_space<vmem>>, vector<16xi32>,
          %get3A_363 = arith.index_cast %mul3A_360 : i32 to index
          %get3A_364 = tpu.vector_load %arg8[%get3A_363] {strides = array<i32>} : memref<2048xf32, #tpu.memory_space<vmem>>, vector<16xf32>,
          %sub3A_365 = vector.broadcast %mul3A_36 : i32 to vector<16xi32>
          %sub3A_366 = arith.subi %get3A_362, %sub3A_365 : vector<16xi32>
          %bitcast_convert_type3A_367 = tpu.bitcast %sub3A_366 : vector<16xi32> -> vector<16xi32>
          %lt3A_368 = arith.constant 1572864 : i32
          %lt3A_369 = vector.broadcast %lt3A_368 : i32 to vector<16xi32>
          %lt3A_370 = arith.cmpi ult, %bitcast_convert_type3A_367, %lt3A_369 : vector<16xi32>
          %add3A_371 = arith.addi %add3A_16, %add3A_294 : vector<16xi32>
          %select_n3A_372 = arith.select %lt3A_370, %add3A_371, %add3A_7 : vector<16xi1>, vector<16xi32>
          tpu.vector_store_idx %arg10[%select_n3A_372], %sub3A_366 : memref<10256xi32, #tpu.memory_space<vmem>>[vector<16xi32>], vector<16xi32>,
          tpu.vector_store_idx %arg11[%select_n3A_372], %get3A_364 : memref<10256xf32, #tpu.memory_space<vmem>>[vector<16xi32>], vector<16xf32>,
          %select_n3A_373 = arith.select %lt3A_370, %broadcast_in_dim3A_3, %broadcast_in_dim3A_5 : vector<16xi1>, vector<16xi32>
          %add3A_374 = arith.addi %add3A_294, %select_n3A_373 : vector<16xi32>
          %mul3A_375 = arith.constant 16 : i32
          %mul3A_376 = arith.muli %scan3A_153, %mul3A_375 : i32
          %add3A_377 = arith.constant 11 : i32
          %add3A_378 = arith.addi %mul3A_376, %add3A_377 : i32
          %mul3A_379 = arith.constant 16 : i32
          %mul3A_380 = arith.muli %add3A_378, %mul3A_379 : i32
          %get3A_381 = arith.index_cast %mul3A_380 : i32 to index
          %get3A_382 = tpu.vector_load %arg6[%get3A_381] {strides = array<i32>} : memref<2048xi32, #tpu.memory_space<vmem>>, vector<16xi32>,
          %get3A_383 = arith.index_cast %mul3A_380 : i32 to index
          %get3A_384 = tpu.vector_load %arg8[%get3A_383] {strides = array<i32>} : memref<2048xf32, #tpu.memory_space<vmem>>, vector<16xf32>,
          %sub3A_385 = vector.broadcast %mul3A_36 : i32 to vector<16xi32>
          %sub3A_386 = arith.subi %get3A_382, %sub3A_385 : vector<16xi32>
          %bitcast_convert_type3A_387 = tpu.bitcast %sub3A_386 : vector<16xi32> -> vector<16xi32>
          %lt3A_388 = arith.constant 1572864 : i32
          %lt3A_389 = vector.broadcast %lt3A_388 : i32 to vector<16xi32>
          %lt3A_390 = arith.cmpi ult, %bitcast_convert_type3A_387, %lt3A_389 : vector<16xi32>
          %add3A_391 = arith.addi %add3A_19, %add3A_314 : vector<16xi32>
          %select_n3A_392 = arith.select %lt3A_390, %add3A_391, %add3A_7 : vector<16xi1>, vector<16xi32>
          tpu.vector_store_idx %arg10[%select_n3A_392], %sub3A_386 : memref<10256xi32, #tpu.memory_space<vmem>>[vector<16xi32>], vector<16xi32>,
          tpu.vector_store_idx %arg11[%select_n3A_392], %get3A_384 : memref<10256xf32, #tpu.memory_space<vmem>>[vector<16xi32>], vector<16xf32>,
          %select_n3A_393 = arith.select %lt3A_390, %broadcast_in_dim3A_3, %broadcast_in_dim3A_5 : vector<16xi1>, vector<16xi32>
          %add3A_394 = arith.addi %add3A_314, %select_n3A_393 : vector<16xi32>
          %mul3A_395 = arith.constant 16 : i32
          %mul3A_396 = arith.muli %scan3A_153, %mul3A_395 : i32
          %add3A_397 = arith.constant 12 : i32
          %add3A_398 = arith.addi %mul3A_396, %add3A_397 : i32
          %mul3A_399 = arith.constant 16 : i32
          %mul3A_400 = arith.muli %add3A_398, %mul3A_399 : i32
          %get3A_401 = arith.index_cast %mul3A_400 : i32 to index
          %get3A_402 = tpu.vector_load %arg6[%get3A_401] {strides = array<i32>} : memref<2048xi32, #tpu.memory_space<vmem>>, vector<16xi32>,
          %get3A_403 = arith.index_cast %mul3A_400 : i32 to index
          %get3A_404 = tpu.vector_load %arg8[%get3A_403] {strides = array<i32>} : memref<2048xf32, #tpu.memory_space<vmem>>, vector<16xf32>,
          %sub3A_405 = vector.broadcast %mul3A_36 : i32 to vector<16xi32>
          %sub3A_406 = arith.subi %get3A_402, %sub3A_405 : vector<16xi32>
          %bitcast_convert_type3A_407 = tpu.bitcast %sub3A_406 : vector<16xi32> -> vector<16xi32>
          %lt3A_408 = arith.constant 1572864 : i32
          %lt3A_409 = vector.broadcast %lt3A_408 : i32 to vector<16xi32>
          %lt3A_410 = arith.cmpi ult, %bitcast_convert_type3A_407, %lt3A_409 : vector<16xi32>
          %add3A_411 = arith.addi %add3A_10, %add3A_334 : vector<16xi32>
          %select_n3A_412 = arith.select %lt3A_410, %add3A_411, %add3A_7 : vector<16xi1>, vector<16xi32>
          tpu.vector_store_idx %arg10[%select_n3A_412], %sub3A_406 : memref<10256xi32, #tpu.memory_space<vmem>>[vector<16xi32>], vector<16xi32>,
          tpu.vector_store_idx %arg11[%select_n3A_412], %get3A_404 : memref<10256xf32, #tpu.memory_space<vmem>>[vector<16xi32>], vector<16xf32>,
          %select_n3A_413 = arith.select %lt3A_410, %broadcast_in_dim3A_3, %broadcast_in_dim3A_5 : vector<16xi1>, vector<16xi32>
          %add3A_414 = arith.addi %add3A_334, %select_n3A_413 : vector<16xi32>
          %mul3A_415 = arith.constant 16 : i32
          %mul3A_416 = arith.muli %scan3A_153, %mul3A_415 : i32
          %add3A_417 = arith.constant 13 : i32
          %add3A_418 = arith.addi %mul3A_416, %add3A_417 : i32
          %mul3A_419 = arith.constant 16 : i32
          %mul3A_420 = arith.muli %add3A_418, %mul3A_419 : i32
          %get3A_421 = arith.index_cast %mul3A_420 : i32 to index
          %get3A_422 = tpu.vector_load %arg6[%get3A_421] {strides = array<i32>} : memref<2048xi32, #tpu.memory_space<vmem>>, vector<16xi32>,
          %get3A_423 = arith.index_cast %mul3A_420 : i32 to index
          %get3A_424 = tpu.vector_load %arg8[%get3A_423] {strides = array<i32>} : memref<2048xf32, #tpu.memory_space<vmem>>, vector<16xf32>,
          %sub3A_425 = vector.broadcast %mul3A_36 : i32 to vector<16xi32>
          %sub3A_426 = arith.subi %get3A_422, %sub3A_425 : vector<16xi32>
          %bitcast_convert_type3A_427 = tpu.bitcast %sub3A_426 : vector<16xi32> -> vector<16xi32>
          %lt3A_428 = arith.constant 1572864 : i32
          %lt3A_429 = vector.broadcast %lt3A_428 : i32 to vector<16xi32>
          %lt3A_430 = arith.cmpi ult, %bitcast_convert_type3A_427, %lt3A_429 : vector<16xi32>
          %add3A_431 = arith.addi %add3A_13, %add3A_354 : vector<16xi32>
          %select_n3A_432 = arith.select %lt3A_430, %add3A_431, %add3A_7 : vector<16xi1>, vector<16xi32>
          tpu.vector_store_idx %arg10[%select_n3A_432], %sub3A_426 : memref<10256xi32, #tpu.memory_space<vmem>>[vector<16xi32>], vector<16xi32>,
          tpu.vector_store_idx %arg11[%select_n3A_432], %get3A_424 : memref<10256xf32, #tpu.memory_space<vmem>>[vector<16xi32>], vector<16xf32>,
          %select_n3A_433 = arith.select %lt3A_430, %broadcast_in_dim3A_3, %broadcast_in_dim3A_5 : vector<16xi1>, vector<16xi32>
          %add3A_434 = arith.addi %add3A_354, %select_n3A_433 : vector<16xi32>
          %mul3A_435 = arith.constant 16 : i32
          %mul3A_436 = arith.muli %scan3A_153, %mul3A_435 : i32
          %add3A_437 = arith.constant 14 : i32
          %add3A_438 = arith.addi %mul3A_436, %add3A_437 : i32
          %mul3A_439 = arith.constant 16 : i32
          %mul3A_440 = arith.muli %add3A_438, %mul3A_439 : i32
          %get3A_441 = arith.index_cast %mul3A_440 : i32 to index
          %get3A_442 = tpu.vector_load %arg6[%get3A_441] {strides = array<i32>} : memref<2048xi32, #tpu.memory_space<vmem>>, vector<16xi32>,
          %get3A_443 = arith.index_cast %mul3A_440 : i32 to index
          %get3A_444 = tpu.vector_load %arg8[%get3A_443] {strides = array<i32>} : memref<2048xf32, #tpu.memory_space<vmem>>, vector<16xf32>,
          %sub3A_445 = vector.broadcast %mul3A_36 : i32 to vector<16xi32>
          %sub3A_446 = arith.subi %get3A_442, %sub3A_445 : vector<16xi32>
          %bitcast_convert_type3A_447 = tpu.bitcast %sub3A_446 : vector<16xi32> -> vector<16xi32>
          %lt3A_448 = arith.constant 1572864 : i32
          %lt3A_449 = vector.broadcast %lt3A_448 : i32 to vector<16xi32>
          %lt3A_450 = arith.cmpi ult, %bitcast_convert_type3A_447, %lt3A_449 : vector<16xi32>
          %add3A_451 = arith.addi %add3A_16, %add3A_374 : vector<16xi32>
          %select_n3A_452 = arith.select %lt3A_450, %add3A_451, %add3A_7 : vector<16xi1>, vector<16xi32>
          tpu.vector_store_idx %arg10[%select_n3A_452], %sub3A_446 : memref<10256xi32, #tpu.memory_space<vmem>>[vector<16xi32>], vector<16xi32>,
          tpu.vector_store_idx %arg11[%select_n3A_452], %get3A_444 : memref<10256xf32, #tpu.memory_space<vmem>>[vector<16xi32>], vector<16xf32>,
          %select_n3A_453 = arith.select %lt3A_450, %broadcast_in_dim3A_3, %broadcast_in_dim3A_5 : vector<16xi1>, vector<16xi32>
          %add3A_454 = arith.addi %add3A_374, %select_n3A_453 : vector<16xi32>
          %mul3A_455 = arith.constant 16 : i32
          %mul3A_456 = arith.muli %scan3A_153, %mul3A_455 : i32
          %add3A_457 = arith.constant 15 : i32
          %add3A_458 = arith.addi %mul3A_456, %add3A_457 : i32
          %mul3A_459 = arith.constant 16 : i32
          %mul3A_460 = arith.muli %add3A_458, %mul3A_459 : i32
          %get3A_461 = arith.index_cast %mul3A_460 : i32 to index
          %get3A_462 = tpu.vector_load %arg6[%get3A_461] {strides = array<i32>} : memref<2048xi32, #tpu.memory_space<vmem>>, vector<16xi32>,
          %get3A_463 = arith.index_cast %mul3A_460 : i32 to index
          %get3A_464 = tpu.vector_load %arg8[%get3A_463] {strides = array<i32>} : memref<2048xf32, #tpu.memory_space<vmem>>, vector<16xf32>,
          %sub3A_465 = vector.broadcast %mul3A_36 : i32 to vector<16xi32>
          %sub3A_466 = arith.subi %get3A_462, %sub3A_465 : vector<16xi32>
          %bitcast_convert_type3A_467 = tpu.bitcast %sub3A_466 : vector<16xi32> -> vector<16xi32>
          %lt3A_468 = arith.constant 1572864 : i32
          %lt3A_469 = vector.broadcast %lt3A_468 : i32 to vector<16xi32>
          %lt3A_470 = arith.cmpi ult, %bitcast_convert_type3A_467, %lt3A_469 : vector<16xi32>
          %add3A_471 = arith.addi %add3A_19, %add3A_394 : vector<16xi32>
          %select_n3A_472 = arith.select %lt3A_470, %add3A_471, %add3A_7 : vector<16xi1>, vector<16xi32>
          tpu.vector_store_idx %arg10[%select_n3A_472], %sub3A_466 : memref<10256xi32, #tpu.memory_space<vmem>>[vector<16xi32>], vector<16xi32>,
          tpu.vector_store_idx %arg11[%select_n3A_472], %get3A_464 : memref<10256xf32, #tpu.memory_space<vmem>>[vector<16xi32>], vector<16xf32>,
          %select_n3A_473 = arith.select %lt3A_470, %broadcast_in_dim3A_3, %broadcast_in_dim3A_5 : vector<16xi1>, vector<16xi32>
          %add3A_474 = arith.addi %add3A_394, %select_n3A_473 : vector<16xi32>
          scf.yield %add3A_414, %add3A_434, %add3A_454, %add3A_474 : vector<16xi32>, vector<16xi32>, vector<16xi32>, vector<16xi32>
        }
        %scan3A_88 = arith.constant 8 : i32
        %add3A_89 = arith.constant 2 : i32
        %add3A_90 = arith.addi %add3A_76, %add3A_89 : i32
        %lt3A = arith.constant 384 : i32
        %lt3A_91 = arith.cmpi slt, %add3A_90, %lt3A : i32
        %convert_element_type3A = arith.extui %lt3A_91 : i1 to i32
        %cond3A = arith.constant 0 : i32
        %cond3A_92 = arith.cmpi ne, %convert_element_type3A, %cond3A : i32
        scf.if %cond3A_92 {
          %add3A_153 = arith.constant 2 : i32
          %add3A_154 = arith.addi %add3A_76, %add3A_153 : i32
          %mul3A_155 = arith.constant 2048 : i32
          %mul3A_156 = arith.muli %add3A_154, %mul3A_155 : i32
          %add3A_157 = arith.addi %mul3A_0, %mul3A_156 : i32
          %dma_start3A_158 = tpu.memref_slice %arg3[%add3A_157] : memref<12582912xi32, #tpu.memory_space<hbm>> -> memref<2048xi32, #tpu.memory_space<hbm>>
          %dma_start3A_159 = tpu.memref_slice %arg3[%add3A_157] : memref<12582912xi32, #tpu.memory_space<hbm>> -> memref<2048xi32, #tpu.memory_space<hbm>>
          tpu.enqueue_dma source(%dma_start3A_159 : memref<2048xi32, #tpu.memory_space<hbm>>) target(%arg6 : memref<2048xi32, #tpu.memory_space<vmem>>) target_semaphore(%arg13 : memref<!tpu.dma_semaphore, #tpu.memory_space<semaphore_mem>>)
          %dma_start3A_160 = tpu.memref_slice %arg2[%add3A_157] : memref<12582912xf32, #tpu.memory_space<hbm>> -> memref<2048xf32, #tpu.memory_space<hbm>>
          %dma_start3A_161 = tpu.memref_slice %arg2[%add3A_157] : memref<12582912xf32, #tpu.memory_space<hbm>> -> memref<2048xf32, #tpu.memory_space<hbm>>
          tpu.enqueue_dma source(%dma_start3A_161 : memref<2048xf32, #tpu.memory_space<hbm>>) target(%arg8 : memref<2048xf32, #tpu.memory_space<vmem>>) target_semaphore(%arg13 : memref<!tpu.dma_semaphore, #tpu.memory_space<semaphore_mem>>)
        } else {
        }
        %max3A = arith.maxsi %scan3A_87#0, %scan3A_87#1 : vector<16xi32>
        %max3A_93 = arith.maxsi %scan3A_87#2, %scan3A_87#3 : vector<16xi32>
        %max3A_94 = arith.maxsi %max3A, %max3A_93 : vector<16xi32>
        %reduce_max3A = arith.constant true
        %reduce_max3A_95 = vector.broadcast %reduce_max3A : i1 to vector<16xi1>
        %reduce_max3A_96 = arith.constant -2147483648 : i32
        %reduce_max3A_97 = vector.broadcast %reduce_max3A_96 : i32 to vector<16xi32>
        %reduce_max3A_98 = arith.xori %max3A_94, %reduce_max3A_97 : vector<16xi32>
        %reduce_max3A_99 = tpu.scan <max>, %reduce_max3A_98 masked %reduce_max3A_95 : vector<16xi32>, vector<16xi1> -> vector<16xi32>
        %reduce_max3A_100 = arith.xori %reduce_max3A_99, %reduce_max3A_97 : vector<16xi32>
        %reduce_max3A_101 = vector.extract %reduce_max3A_100[15] : i32 from vector<16xi32>
        %ge3A = arith.constant 2048 : i32
        %ge3A_102 = arith.cmpi sge, %reduce_max3A_101, %ge3A : i32
        %convert_element_type3A_103 = arith.extui %ge3A_102 : i1 to i32
        %cond3A_104 = arith.constant 0 : i32
        %cond3A_105 = arith.cmpi ne, %convert_element_type3A_103, %cond3A_104 : i32
        scf.if %cond3A_105 {
          "tpu.region"() ({
            %run_scoped3A = tpu.sem_alloc : memref<!tpu.dma_semaphore, #tpu.memory_space<semaphore_mem>>
            %dma_start3A_159 = arith.constant 0 : i32
            %dma_start3A_160 = tpu.memref_slice %arg11[%dma_start3A_159] : memref<10256xf32, #tpu.memory_space<vmem>> -> memref<2048xf32, #tpu.memory_space<vmem>>
            %dma_start3A_161 = arith.constant 0 : i32
            %dma_start3A_162 = tpu.memref_slice %arg10[%dma_start3A_161] : memref<10256xi32, #tpu.memory_space<vmem>> -> memref<2048xi32, #tpu.memory_space<vmem>>
            %dma_start3A_163 = arith.constant 0 : i32
            %dma_start3A_164 = tpu.memref_slice %arg12[%dma_start3A_163] : memref<1572864xf32, #tpu.memory_space<vmem_shared>> -> memref<1572864xf32, #tpu.memory_space<vmem_shared>>
            %dma_start3A_165 = arith.constant -1 : i32
            tpu.enqueue_indirect_dma source(%dma_start3A_160 : memref<2048xf32, #tpu.memory_space<vmem>>) target(%dma_start3A_164 : memref<1572864xf32, #tpu.memory_space<vmem_shared>>) offsets(%dma_start3A_162 : memref<2048xi32, #tpu.memory_space<vmem>>) offset_filter(%dma_start3A_165) semaphore(%run_scoped3A : memref<!tpu.dma_semaphore, #tpu.memory_space<semaphore_mem>>) {add = true}
            %dma_wait3A_166 = arith.constant 0 : i32
            %dma_wait3A_167 = tpu.memref_slice %arg11[%dma_wait3A_166] : memref<10256xf32, #tpu.memory_space<vmem>> -> memref<2048xf32, #tpu.memory_space<vmem>>
            %dma_wait3A_168 = arith.constant 0 : i32
            %dma_wait3A_169 = tpu.memref_slice %arg10[%dma_wait3A_168] : memref<10256xi32, #tpu.memory_space<vmem>> -> memref<2048xi32, #tpu.memory_space<vmem>>
            %dma_wait3A_170 = arith.constant 0 : i32
            %dma_wait3A_171 = tpu.memref_slice %arg12[%dma_wait3A_170] : memref<1572864xf32, #tpu.memory_space<vmem_shared>> -> memref<1572864xf32, #tpu.memory_space<vmem_shared>>
            tpu.wait_indirect_dma semaphore(%run_scoped3A : memref<!tpu.dma_semaphore, #tpu.memory_space<semaphore_mem>>) src(%dma_wait3A_167 : memref<2048xf32, #tpu.memory_space<vmem>>) dst(%dma_wait3A_171 : memref<1572864xf32, #tpu.memory_space<vmem_shared>>)
            tpu.yield
          }) : () -> ()
          "tpu.region"() ({
            %run_scoped3A = tpu.sem_alloc : memref<!tpu.dma_semaphore, #tpu.memory_space<semaphore_mem>>
            %dma_start3A_159 = arith.constant 2048 : i32
            %dma_start3A_160 = tpu.memref_slice %arg11[%dma_start3A_159] : memref<10256xf32, #tpu.memory_space<vmem>> -> memref<2048xf32, #tpu.memory_space<vmem>>
            %dma_start3A_161 = arith.constant 2048 : i32
            %dma_start3A_162 = tpu.memref_slice %arg10[%dma_start3A_161] : memref<10256xi32, #tpu.memory_space<vmem>> -> memref<2048xi32, #tpu.memory_space<vmem>>
            %dma_start3A_163 = arith.constant 0 : i32
            %dma_start3A_164 = tpu.memref_slice %arg12[%dma_start3A_163] : memref<1572864xf32, #tpu.memory_space<vmem_shared>> -> memref<1572864xf32, #tpu.memory_space<vmem_shared>>
            %dma_start3A_165 = arith.constant -1 : i32
            tpu.enqueue_indirect_dma source(%dma_start3A_160 : memref<2048xf32, #tpu.memory_space<vmem>>) target(%dma_start3A_164 : memref<1572864xf32, #tpu.memory_space<vmem_shared>>) offsets(%dma_start3A_162 : memref<2048xi32, #tpu.memory_space<vmem>>) offset_filter(%dma_start3A_165) semaphore(%run_scoped3A : memref<!tpu.dma_semaphore, #tpu.memory_space<semaphore_mem>>) {add = true}
            %dma_wait3A_166 = arith.constant 2048 : i32
            %dma_wait3A_167 = tpu.memref_slice %arg11[%dma_wait3A_166] : memref<10256xf32, #tpu.memory_space<vmem>> -> memref<2048xf32, #tpu.memory_space<vmem>>
            %dma_wait3A_168 = arith.constant 2048 : i32
            %dma_wait3A_169 = tpu.memref_slice %arg10[%dma_wait3A_168] : memref<10256xi32, #tpu.memory_space<vmem>> -> memref<2048xi32, #tpu.memory_space<vmem>>
            %dma_wait3A_170 = arith.constant 0 : i32
            %dma_wait3A_171 = tpu.memref_slice %arg12[%dma_wait3A_170] : memref<1572864xf32, #tpu.memory_space<vmem_shared>> -> memref<1572864xf32, #tpu.memory_space<vmem_shared>>
            tpu.wait_indirect_dma semaphore(%run_scoped3A : memref<!tpu.dma_semaphore, #tpu.memory_space<semaphore_mem>>) src(%dma_wait3A_167 : memref<2048xf32, #tpu.memory_space<vmem>>) dst(%dma_wait3A_171 : memref<1572864xf32, #tpu.memory_space<vmem_shared>>)
            tpu.yield
          }) : () -> ()
          "tpu.region"() ({
            %run_scoped3A = tpu.sem_alloc : memref<!tpu.dma_semaphore, #tpu.memory_space<semaphore_mem>>
            %dma_start3A_159 = arith.constant 4096 : i32
            %dma_start3A_160 = tpu.memref_slice %arg11[%dma_start3A_159] : memref<10256xf32, #tpu.memory_space<vmem>> -> memref<2048xf32, #tpu.memory_space<vmem>>
            %dma_start3A_161 = arith.constant 4096 : i32
            %dma_start3A_162 = tpu.memref_slice %arg10[%dma_start3A_161] : memref<10256xi32, #tpu.memory_space<vmem>> -> memref<2048xi32, #tpu.memory_space<vmem>>
            %dma_start3A_163 = arith.constant 0 : i32
            %dma_start3A_164 = tpu.memref_slice %arg12[%dma_start3A_163] : memref<1572864xf32, #tpu.memory_space<vmem_shared>> -> memref<1572864xf32, #tpu.memory_space<vmem_shared>>
            %dma_start3A_165 = arith.constant -1 : i32
            tpu.enqueue_indirect_dma source(%dma_start3A_160 : memref<2048xf32, #tpu.memory_space<vmem>>) target(%dma_start3A_164 : memref<1572864xf32, #tpu.memory_space<vmem_shared>>) offsets(%dma_start3A_162 : memref<2048xi32, #tpu.memory_space<vmem>>) offset_filter(%dma_start3A_165) semaphore(%run_scoped3A : memref<!tpu.dma_semaphore, #tpu.memory_space<semaphore_mem>>) {add = true}
            %dma_wait3A_166 = arith.constant 4096 : i32
            %dma_wait3A_167 = tpu.memref_slice %arg11[%dma_wait3A_166] : memref<10256xf32, #tpu.memory_space<vmem>> -> memref<2048xf32, #tpu.memory_space<vmem>>
            %dma_wait3A_168 = arith.constant 4096 : i32
            %dma_wait3A_169 = tpu.memref_slice %arg10[%dma_wait3A_168] : memref<10256xi32, #tpu.memory_space<vmem>> -> memref<2048xi32, #tpu.memory_space<vmem>>
            %dma_wait3A_170 = arith.constant 0 : i32
            %dma_wait3A_171 = tpu.memref_slice %arg12[%dma_wait3A_170] : memref<1572864xf32, #tpu.memory_space<vmem_shared>> -> memref<1572864xf32, #tpu.memory_space<vmem_shared>>
            tpu.wait_indirect_dma semaphore(%run_scoped3A : memref<!tpu.dma_semaphore, #tpu.memory_space<semaphore_mem>>) src(%dma_wait3A_167 : memref<2048xf32, #tpu.memory_space<vmem>>) dst(%dma_wait3A_171 : memref<1572864xf32, #tpu.memory_space<vmem_shared>>)
            tpu.yield
          }) : () -> ()
          "tpu.region"() ({
            %run_scoped3A = tpu.sem_alloc : memref<!tpu.dma_semaphore, #tpu.memory_space<semaphore_mem>>
            %dma_start3A_159 = arith.constant 6144 : i32
            %dma_start3A_160 = tpu.memref_slice %arg11[%dma_start3A_159] : memref<10256xf32, #tpu.memory_space<vmem>> -> memref<2048xf32, #tpu.memory_space<vmem>>
            %dma_start3A_161 = arith.constant 6144 : i32
            %dma_start3A_162 = tpu.memref_slice %arg10[%dma_start3A_161] : memref<10256xi32, #tpu.memory_space<vmem>> -> memref<2048xi32, #tpu.memory_space<vmem>>
            %dma_start3A_163 = arith.constant 0 : i32
            %dma_start3A_164 = tpu.memref_slice %arg12[%dma_start3A_163] : memref<1572864xf32, #tpu.memory_space<vmem_shared>> -> memref<1572864xf32, #tpu.memory_space<vmem_shared>>
            %dma_start3A_165 = arith.constant -1 : i32
            tpu.enqueue_indirect_dma source(%dma_start3A_160 : memref<2048xf32, #tpu.memory_space<vmem>>) target(%dma_start3A_164 : memref<1572864xf32, #tpu.memory_space<vmem_shared>>) offsets(%dma_start3A_162 : memref<2048xi32, #tpu.memory_space<vmem>>) offset_filter(%dma_start3A_165) semaphore(%run_scoped3A : memref<!tpu.dma_semaphore, #tpu.memory_space<semaphore_mem>>) {add = true}
            %dma_wait3A_166 = arith.constant 6144 : i32
            %dma_wait3A_167 = tpu.memref_slice %arg11[%dma_wait3A_166] : memref<10256xf32, #tpu.memory_space<vmem>> -> memref<2048xf32, #tpu.memory_space<vmem>>
            %dma_wait3A_168 = arith.constant 6144 : i32
            %dma_wait3A_169 = tpu.memref_slice %arg10[%dma_wait3A_168] : memref<10256xi32, #tpu.memory_space<vmem>> -> memref<2048xi32, #tpu.memory_space<vmem>>
            %dma_wait3A_170 = arith.constant 0 : i32
            %dma_wait3A_171 = tpu.memref_slice %arg12[%dma_wait3A_170] : memref<1572864xf32, #tpu.memory_space<vmem_shared>> -> memref<1572864xf32, #tpu.memory_space<vmem_shared>>
            tpu.wait_indirect_dma semaphore(%run_scoped3A : memref<!tpu.dma_semaphore, #tpu.memory_space<semaphore_mem>>) src(%dma_wait3A_167 : memref<2048xf32, #tpu.memory_space<vmem>>) dst(%dma_wait3A_171 : memref<1572864xf32, #tpu.memory_space<vmem_shared>>)
            tpu.yield
          }) : () -> ()
          "tpu.region"() ({
            %run_scoped3A = tpu.sem_alloc : memref<!tpu.dma_semaphore, #tpu.memory_space<semaphore_mem>>
            %dma_start3A_159 = arith.constant 8192 : i32
            %dma_start3A_160 = tpu.memref_slice %arg11[%dma_start3A_159] : memref<10256xf32, #tpu.memory_space<vmem>> -> memref<2048xf32, #tpu.memory_space<vmem>>
            %dma_start3A_161 = arith.constant 8192 : i32
            %dma_start3A_162 = tpu.memref_slice %arg10[%dma_start3A_161] : memref<10256xi32, #tpu.memory_space<vmem>> -> memref<2048xi32, #tpu.memory_space<vmem>>
            %dma_start3A_163 = arith.constant 0 : i32
            %dma_start3A_164 = tpu.memref_slice %arg12[%dma_start3A_163] : memref<1572864xf32, #tpu.memory_space<vmem_shared>> -> memref<1572864xf32, #tpu.memory_space<vmem_shared>>
            %dma_start3A_165 = arith.constant -1 : i32
            tpu.enqueue_indirect_dma source(%dma_start3A_160 : memref<2048xf32, #tpu.memory_space<vmem>>) target(%dma_start3A_164 : memref<1572864xf32, #tpu.memory_space<vmem_shared>>) offsets(%dma_start3A_162 : memref<2048xi32, #tpu.memory_space<vmem>>) offset_filter(%dma_start3A_165) semaphore(%run_scoped3A : memref<!tpu.dma_semaphore, #tpu.memory_space<semaphore_mem>>) {add = true}
            %dma_wait3A_166 = arith.constant 8192 : i32
            %dma_wait3A_167 = tpu.memref_slice %arg11[%dma_wait3A_166] : memref<10256xf32, #tpu.memory_space<vmem>> -> memref<2048xf32, #tpu.memory_space<vmem>>
            %dma_wait3A_168 = arith.constant 8192 : i32
            %dma_wait3A_169 = tpu.memref_slice %arg10[%dma_wait3A_168] : memref<10256xi32, #tpu.memory_space<vmem>> -> memref<2048xi32, #tpu.memory_space<vmem>>
            %dma_wait3A_170 = arith.constant 0 : i32
            %dma_wait3A_171 = tpu.memref_slice %arg12[%dma_wait3A_170] : memref<1572864xf32, #tpu.memory_space<vmem_shared>> -> memref<1572864xf32, #tpu.memory_space<vmem_shared>>
            tpu.wait_indirect_dma semaphore(%run_scoped3A : memref<!tpu.dma_semaphore, #tpu.memory_space<semaphore_mem>>) src(%dma_wait3A_167 : memref<2048xf32, #tpu.memory_space<vmem>>) dst(%dma_wait3A_171 : memref<1572864xf32, #tpu.memory_space<vmem_shared>>)
            tpu.yield
          }) : () -> ()
          %scan3A_153 = arith.constant 0 : i32
          %scan3A_154 = arith.constant 0 : i32
          %scan3A_155 = arith.constant 640 : i32
          %scan3A_156 = arith.addi %scan3A_154, %scan3A_155 : i32
          %scan3A_157 = arith.constant 1 : i32
          scf.for %scan3A_159 = %scan3A_154 to %scan3A_156 step %scan3A_157  : i32 {
            %mul3A_160 = arith.constant 16 : i32
            %mul3A_161 = arith.muli %scan3A_159, %mul3A_160 : i32
            %swap3A = arith.index_cast %mul3A_161 : i32 to index
            %swap3A_162 = tpu.vector_load %arg10[%swap3A] {strides = array<i32>} : memref<10256xi32, #tpu.memory_space<vmem>>, vector<16xi32>,
            tpu.vector_store %arg10[%swap3A], %broadcast_in_dim3A_1 {strides = array<i32>} : memref<10256xi32, #tpu.memory_space<vmem>>, vector<16xi32>,
          }
          %scan3A_158 = arith.constant 640 : i32
        } else {
        }
        %select_n3A = arith.select %ge3A_102, %broadcast_in_dim3A_5, %scan3A_87#0 : vector<16xi32>
        %select_n3A_106 = arith.select %ge3A_102, %broadcast_in_dim3A_5, %scan3A_87#1 : vector<16xi32>
        %select_n3A_107 = arith.select %ge3A_102, %broadcast_in_dim3A_5, %scan3A_87#2 : vector<16xi32>
        %select_n3A_108 = arith.select %ge3A_102, %broadcast_in_dim3A_5, %scan3A_87#3 : vector<16xi32>
        %mul3A_109 = arith.constant 2 : i32
        %mul3A_110 = arith.muli %scan3A_68, %mul3A_109 : i32
        %add3A_111 = arith.constant 1 : i32
        %add3A_112 = arith.addi %mul3A_110, %add3A_111 : i32
        %mul3A_113 = arith.constant 2048 : i32
        %mul3A_114 = arith.muli %add3A_112, %mul3A_113 : i32
        %add3A_115 = arith.addi %mul3A_0, %mul3A_114 : i32
        %dma_wait3A_116 = tpu.memref_slice %arg3[%add3A_115] : memref<12582912xi32, #tpu.memory_space<hbm>> -> memref<2048xi32, #tpu.memory_space<hbm>>
        %dma_wait3A_117 = tpu.memref_slice %arg3[%add3A_115] : memref<12582912xi32, #tpu.memory_space<hbm>> -> memref<2048xi32, #tpu.memory_space<hbm>>
        tpu.wait_dma2 semaphore(%arg14 : memref<!tpu.dma_semaphore, #tpu.memory_space<semaphore_mem>>) src(%dma_wait3A_117 : memref<2048xi32, #tpu.memory_space<hbm>>) dst(%arg7 : memref<2048xi32, #tpu.memory_space<vmem>>)
        %dma_wait3A_118 = tpu.memref_slice %arg2[%add3A_115] : memref<12582912xf32, #tpu.memory_space<hbm>> -> memref<2048xf32, #tpu.memory_space<hbm>>
        %dma_wait3A_119 = tpu.memref_slice %arg2[%add3A_115] : memref<12582912xf32, #tpu.memory_space<hbm>> -> memref<2048xf32, #tpu.memory_space<hbm>>
        tpu.wait_dma2 semaphore(%arg14 : memref<!tpu.dma_semaphore, #tpu.memory_space<semaphore_mem>>) src(%dma_wait3A_119 : memref<2048xf32, #tpu.memory_space<hbm>>) dst(%arg9 : memref<2048xf32, #tpu.memory_space<vmem>>)
        %scan3A_120 = arith.constant 0 : i32
        %scan3A_121 = arith.constant 8 : i32
        %scan3A_122 = arith.addi %scan3A_120, %scan3A_121 : i32
        %scan3A_123 = arith.constant 1 : i32
        %scan3A_124:4 = scf.for %scan3A_153 = %scan3A_120 to %scan3A_122 step %scan3A_123 iter_args(%scan3A_154 = %select_n3A, %scan3A_155 = %select_n3A_106, %scan3A_156 = %select_n3A_107, %scan3A_157 = %select_n3A_108) -> (vector<16xi32>, vector<16xi32>, vector<16xi32>, vector<16xi32>)  : i32 {
          %mul3A_158 = arith.constant 16 : i32
          %mul3A_159 = arith.muli %scan3A_153, %mul3A_158 : i32
          %add3A_160 = arith.constant 0 : i32
          %add3A_161 = arith.addi %mul3A_159, %add3A_160 : i32
          %mul3A_162 = arith.constant 16 : i32
          %mul3A_163 = arith.muli %add3A_161, %mul3A_162 : i32
          %get3A = arith.index_cast %mul3A_163 : i32 to index
          %get3A_164 = tpu.vector_load %arg7[%get3A] {strides = array<i32>} : memref<2048xi32, #tpu.memory_space<vmem>>, vector<16xi32>,
          %get3A_165 = arith.index_cast %mul3A_163 : i32 to index
          %get3A_166 = tpu.vector_load %arg9[%get3A_165] {strides = array<i32>} : memref<2048xf32, #tpu.memory_space<vmem>>, vector<16xf32>,
          %sub3A = vector.broadcast %mul3A_36 : i32 to vector<16xi32>
          %sub3A_167 = arith.subi %get3A_164, %sub3A : vector<16xi32>
          %bitcast_convert_type3A = tpu.bitcast %sub3A_167 : vector<16xi32> -> vector<16xi32>
          %lt3A_168 = arith.constant 1572864 : i32
          %lt3A_169 = vector.broadcast %lt3A_168 : i32 to vector<16xi32>
          %lt3A_170 = arith.cmpi ult, %bitcast_convert_type3A, %lt3A_169 : vector<16xi32>
          %add3A_171 = arith.addi %add3A_10, %scan3A_154 : vector<16xi32>
          %select_n3A_172 = arith.select %lt3A_170, %add3A_171, %add3A_7 : vector<16xi1>, vector<16xi32>
          tpu.vector_store_idx %arg10[%select_n3A_172], %sub3A_167 : memref<10256xi32, #tpu.memory_space<vmem>>[vector<16xi32>], vector<16xi32>,
          tpu.vector_store_idx %arg11[%select_n3A_172], %get3A_166 : memref<10256xf32, #tpu.memory_space<vmem>>[vector<16xi32>], vector<16xf32>,
          %select_n3A_173 = arith.select %lt3A_170, %broadcast_in_dim3A_3, %broadcast_in_dim3A_5 : vector<16xi1>, vector<16xi32>
          %add3A_174 = arith.addi %scan3A_154, %select_n3A_173 : vector<16xi32>
          %mul3A_175 = arith.constant 16 : i32
          %mul3A_176 = arith.muli %scan3A_153, %mul3A_175 : i32
          %add3A_177 = arith.constant 1 : i32
          %add3A_178 = arith.addi %mul3A_176, %add3A_177 : i32
          %mul3A_179 = arith.constant 16 : i32
          %mul3A_180 = arith.muli %add3A_178, %mul3A_179 : i32
          %get3A_181 = arith.index_cast %mul3A_180 : i32 to index
          %get3A_182 = tpu.vector_load %arg7[%get3A_181] {strides = array<i32>} : memref<2048xi32, #tpu.memory_space<vmem>>, vector<16xi32>,
          %get3A_183 = arith.index_cast %mul3A_180 : i32 to index
          %get3A_184 = tpu.vector_load %arg9[%get3A_183] {strides = array<i32>} : memref<2048xf32, #tpu.memory_space<vmem>>, vector<16xf32>,
          %sub3A_185 = vector.broadcast %mul3A_36 : i32 to vector<16xi32>
          %sub3A_186 = arith.subi %get3A_182, %sub3A_185 : vector<16xi32>
          %bitcast_convert_type3A_187 = tpu.bitcast %sub3A_186 : vector<16xi32> -> vector<16xi32>
          %lt3A_188 = arith.constant 1572864 : i32
          %lt3A_189 = vector.broadcast %lt3A_188 : i32 to vector<16xi32>
          %lt3A_190 = arith.cmpi ult, %bitcast_convert_type3A_187, %lt3A_189 : vector<16xi32>
          %add3A_191 = arith.addi %add3A_13, %scan3A_155 : vector<16xi32>
          %select_n3A_192 = arith.select %lt3A_190, %add3A_191, %add3A_7 : vector<16xi1>, vector<16xi32>
          tpu.vector_store_idx %arg10[%select_n3A_192], %sub3A_186 : memref<10256xi32, #tpu.memory_space<vmem>>[vector<16xi32>], vector<16xi32>,
          tpu.vector_store_idx %arg11[%select_n3A_192], %get3A_184 : memref<10256xf32, #tpu.memory_space<vmem>>[vector<16xi32>], vector<16xf32>,
          %select_n3A_193 = arith.select %lt3A_190, %broadcast_in_dim3A_3, %broadcast_in_dim3A_5 : vector<16xi1>, vector<16xi32>
          %add3A_194 = arith.addi %scan3A_155, %select_n3A_193 : vector<16xi32>
          %mul3A_195 = arith.constant 16 : i32
          %mul3A_196 = arith.muli %scan3A_153, %mul3A_195 : i32
          %add3A_197 = arith.constant 2 : i32
          %add3A_198 = arith.addi %mul3A_196, %add3A_197 : i32
          %mul3A_199 = arith.constant 16 : i32
          %mul3A_200 = arith.muli %add3A_198, %mul3A_199 : i32
          %get3A_201 = arith.index_cast %mul3A_200 : i32 to index
          %get3A_202 = tpu.vector_load %arg7[%get3A_201] {strides = array<i32>} : memref<2048xi32, #tpu.memory_space<vmem>>, vector<16xi32>,
          %get3A_203 = arith.index_cast %mul3A_200 : i32 to index
          %get3A_204 = tpu.vector_load %arg9[%get3A_203] {strides = array<i32>} : memref<2048xf32, #tpu.memory_space<vmem>>, vector<16xf32>,
          %sub3A_205 = vector.broadcast %mul3A_36 : i32 to vector<16xi32>
          %sub3A_206 = arith.subi %get3A_202, %sub3A_205 : vector<16xi32>
          %bitcast_convert_type3A_207 = tpu.bitcast %sub3A_206 : vector<16xi32> -> vector<16xi32>
          %lt3A_208 = arith.constant 1572864 : i32
          %lt3A_209 = vector.broadcast %lt3A_208 : i32 to vector<16xi32>
          %lt3A_210 = arith.cmpi ult, %bitcast_convert_type3A_207, %lt3A_209 : vector<16xi32>
          %add3A_211 = arith.addi %add3A_16, %scan3A_156 : vector<16xi32>
          %select_n3A_212 = arith.select %lt3A_210, %add3A_211, %add3A_7 : vector<16xi1>, vector<16xi32>
          tpu.vector_store_idx %arg10[%select_n3A_212], %sub3A_206 : memref<10256xi32, #tpu.memory_space<vmem>>[vector<16xi32>], vector<16xi32>,
          tpu.vector_store_idx %arg11[%select_n3A_212], %get3A_204 : memref<10256xf32, #tpu.memory_space<vmem>>[vector<16xi32>], vector<16xf32>,
          %select_n3A_213 = arith.select %lt3A_210, %broadcast_in_dim3A_3, %broadcast_in_dim3A_5 : vector<16xi1>, vector<16xi32>
          %add3A_214 = arith.addi %scan3A_156, %select_n3A_213 : vector<16xi32>
          %mul3A_215 = arith.constant 16 : i32
          %mul3A_216 = arith.muli %scan3A_153, %mul3A_215 : i32
          %add3A_217 = arith.constant 3 : i32
          %add3A_218 = arith.addi %mul3A_216, %add3A_217 : i32
          %mul3A_219 = arith.constant 16 : i32
          %mul3A_220 = arith.muli %add3A_218, %mul3A_219 : i32
          %get3A_221 = arith.index_cast %mul3A_220 : i32 to index
          %get3A_222 = tpu.vector_load %arg7[%get3A_221] {strides = array<i32>} : memref<2048xi32, #tpu.memory_space<vmem>>, vector<16xi32>,
          %get3A_223 = arith.index_cast %mul3A_220 : i32 to index
          %get3A_224 = tpu.vector_load %arg9[%get3A_223] {strides = array<i32>} : memref<2048xf32, #tpu.memory_space<vmem>>, vector<16xf32>,
          %sub3A_225 = vector.broadcast %mul3A_36 : i32 to vector<16xi32>
          %sub3A_226 = arith.subi %get3A_222, %sub3A_225 : vector<16xi32>
          %bitcast_convert_type3A_227 = tpu.bitcast %sub3A_226 : vector<16xi32> -> vector<16xi32>
          %lt3A_228 = arith.constant 1572864 : i32
          %lt3A_229 = vector.broadcast %lt3A_228 : i32 to vector<16xi32>
          %lt3A_230 = arith.cmpi ult, %bitcast_convert_type3A_227, %lt3A_229 : vector<16xi32>
          %add3A_231 = arith.addi %add3A_19, %scan3A_157 : vector<16xi32>
          %select_n3A_232 = arith.select %lt3A_230, %add3A_231, %add3A_7 : vector<16xi1>, vector<16xi32>
          tpu.vector_store_idx %arg10[%select_n3A_232], %sub3A_226 : memref<10256xi32, #tpu.memory_space<vmem>>[vector<16xi32>], vector<16xi32>,
          tpu.vector_store_idx %arg11[%select_n3A_232], %get3A_224 : memref<10256xf32, #tpu.memory_space<vmem>>[vector<16xi32>], vector<16xf32>,
          %select_n3A_233 = arith.select %lt3A_230, %broadcast_in_dim3A_3, %broadcast_in_dim3A_5 : vector<16xi1>, vector<16xi32>
          %add3A_234 = arith.addi %scan3A_157, %select_n3A_233 : vector<16xi32>
          %mul3A_235 = arith.constant 16 : i32
          %mul3A_236 = arith.muli %scan3A_153, %mul3A_235 : i32
          %add3A_237 = arith.constant 4 : i32
          %add3A_238 = arith.addi %mul3A_236, %add3A_237 : i32
          %mul3A_239 = arith.constant 16 : i32
          %mul3A_240 = arith.muli %add3A_238, %mul3A_239 : i32
          %get3A_241 = arith.index_cast %mul3A_240 : i32 to index
          %get3A_242 = tpu.vector_load %arg7[%get3A_241] {strides = array<i32>} : memref<2048xi32, #tpu.memory_space<vmem>>, vector<16xi32>,
          %get3A_243 = arith.index_cast %mul3A_240 : i32 to index
          %get3A_244 = tpu.vector_load %arg9[%get3A_243] {strides = array<i32>} : memref<2048xf32, #tpu.memory_space<vmem>>, vector<16xf32>,
          %sub3A_245 = vector.broadcast %mul3A_36 : i32 to vector<16xi32>
          %sub3A_246 = arith.subi %get3A_242, %sub3A_245 : vector<16xi32>
          %bitcast_convert_type3A_247 = tpu.bitcast %sub3A_246 : vector<16xi32> -> vector<16xi32>
          %lt3A_248 = arith.constant 1572864 : i32
          %lt3A_249 = vector.broadcast %lt3A_248 : i32 to vector<16xi32>
          %lt3A_250 = arith.cmpi ult, %bitcast_convert_type3A_247, %lt3A_249 : vector<16xi32>
          %add3A_251 = arith.addi %add3A_10, %add3A_174 : vector<16xi32>
          %select_n3A_252 = arith.select %lt3A_250, %add3A_251, %add3A_7 : vector<16xi1>, vector<16xi32>
          tpu.vector_store_idx %arg10[%select_n3A_252], %sub3A_246 : memref<10256xi32, #tpu.memory_space<vmem>>[vector<16xi32>], vector<16xi32>,
          tpu.vector_store_idx %arg11[%select_n3A_252], %get3A_244 : memref<10256xf32, #tpu.memory_space<vmem>>[vector<16xi32>], vector<16xf32>,
          %select_n3A_253 = arith.select %lt3A_250, %broadcast_in_dim3A_3, %broadcast_in_dim3A_5 : vector<16xi1>, vector<16xi32>
          %add3A_254 = arith.addi %add3A_174, %select_n3A_253 : vector<16xi32>
          %mul3A_255 = arith.constant 16 : i32
          %mul3A_256 = arith.muli %scan3A_153, %mul3A_255 : i32
          %add3A_257 = arith.constant 5 : i32
          %add3A_258 = arith.addi %mul3A_256, %add3A_257 : i32
          %mul3A_259 = arith.constant 16 : i32
          %mul3A_260 = arith.muli %add3A_258, %mul3A_259 : i32
          %get3A_261 = arith.index_cast %mul3A_260 : i32 to index
          %get3A_262 = tpu.vector_load %arg7[%get3A_261] {strides = array<i32>} : memref<2048xi32, #tpu.memory_space<vmem>>, vector<16xi32>,
          %get3A_263 = arith.index_cast %mul3A_260 : i32 to index
          %get3A_264 = tpu.vector_load %arg9[%get3A_263] {strides = array<i32>} : memref<2048xf32, #tpu.memory_space<vmem>>, vector<16xf32>,
          %sub3A_265 = vector.broadcast %mul3A_36 : i32 to vector<16xi32>
          %sub3A_266 = arith.subi %get3A_262, %sub3A_265 : vector<16xi32>
          %bitcast_convert_type3A_267 = tpu.bitcast %sub3A_266 : vector<16xi32> -> vector<16xi32>
          %lt3A_268 = arith.constant 1572864 : i32
          %lt3A_269 = vector.broadcast %lt3A_268 : i32 to vector<16xi32>
          %lt3A_270 = arith.cmpi ult, %bitcast_convert_type3A_267, %lt3A_269 : vector<16xi32>
          %add3A_271 = arith.addi %add3A_13, %add3A_194 : vector<16xi32>
          %select_n3A_272 = arith.select %lt3A_270, %add3A_271, %add3A_7 : vector<16xi1>, vector<16xi32>
          tpu.vector_store_idx %arg10[%select_n3A_272], %sub3A_266 : memref<10256xi32, #tpu.memory_space<vmem>>[vector<16xi32>], vector<16xi32>,
          tpu.vector_store_idx %arg11[%select_n3A_272], %get3A_264 : memref<10256xf32, #tpu.memory_space<vmem>>[vector<16xi32>], vector<16xf32>,
          %select_n3A_273 = arith.select %lt3A_270, %broadcast_in_dim3A_3, %broadcast_in_dim3A_5 : vector<16xi1>, vector<16xi32>
          %add3A_274 = arith.addi %add3A_194, %select_n3A_273 : vector<16xi32>
          %mul3A_275 = arith.constant 16 : i32
          %mul3A_276 = arith.muli %scan3A_153, %mul3A_275 : i32
          %add3A_277 = arith.constant 6 : i32
          %add3A_278 = arith.addi %mul3A_276, %add3A_277 : i32
          %mul3A_279 = arith.constant 16 : i32
          %mul3A_280 = arith.muli %add3A_278, %mul3A_279 : i32
          %get3A_281 = arith.index_cast %mul3A_280 : i32 to index
          %get3A_282 = tpu.vector_load %arg7[%get3A_281] {strides = array<i32>} : memref<2048xi32, #tpu.memory_space<vmem>>, vector<16xi32>,
          %get3A_283 = arith.index_cast %mul3A_280 : i32 to index
          %get3A_284 = tpu.vector_load %arg9[%get3A_283] {strides = array<i32>} : memref<2048xf32, #tpu.memory_space<vmem>>, vector<16xf32>,
          %sub3A_285 = vector.broadcast %mul3A_36 : i32 to vector<16xi32>
          %sub3A_286 = arith.subi %get3A_282, %sub3A_285 : vector<16xi32>
          %bitcast_convert_type3A_287 = tpu.bitcast %sub3A_286 : vector<16xi32> -> vector<16xi32>
          %lt3A_288 = arith.constant 1572864 : i32
          %lt3A_289 = vector.broadcast %lt3A_288 : i32 to vector<16xi32>
          %lt3A_290 = arith.cmpi ult, %bitcast_convert_type3A_287, %lt3A_289 : vector<16xi32>
          %add3A_291 = arith.addi %add3A_16, %add3A_214 : vector<16xi32>
          %select_n3A_292 = arith.select %lt3A_290, %add3A_291, %add3A_7 : vector<16xi1>, vector<16xi32>
          tpu.vector_store_idx %arg10[%select_n3A_292], %sub3A_286 : memref<10256xi32, #tpu.memory_space<vmem>>[vector<16xi32>], vector<16xi32>,
          tpu.vector_store_idx %arg11[%select_n3A_292], %get3A_284 : memref<10256xf32, #tpu.memory_space<vmem>>[vector<16xi32>], vector<16xf32>,
          %select_n3A_293 = arith.select %lt3A_290, %broadcast_in_dim3A_3, %broadcast_in_dim3A_5 : vector<16xi1>, vector<16xi32>
          %add3A_294 = arith.addi %add3A_214, %select_n3A_293 : vector<16xi32>
          %mul3A_295 = arith.constant 16 : i32
          %mul3A_296 = arith.muli %scan3A_153, %mul3A_295 : i32
          %add3A_297 = arith.constant 7 : i32
          %add3A_298 = arith.addi %mul3A_296, %add3A_297 : i32
          %mul3A_299 = arith.constant 16 : i32
          %mul3A_300 = arith.muli %add3A_298, %mul3A_299 : i32
          %get3A_301 = arith.index_cast %mul3A_300 : i32 to index
          %get3A_302 = tpu.vector_load %arg7[%get3A_301] {strides = array<i32>} : memref<2048xi32, #tpu.memory_space<vmem>>, vector<16xi32>,
          %get3A_303 = arith.index_cast %mul3A_300 : i32 to index
          %get3A_304 = tpu.vector_load %arg9[%get3A_303] {strides = array<i32>} : memref<2048xf32, #tpu.memory_space<vmem>>, vector<16xf32>,
          %sub3A_305 = vector.broadcast %mul3A_36 : i32 to vector<16xi32>
          %sub3A_306 = arith.subi %get3A_302, %sub3A_305 : vector<16xi32>
          %bitcast_convert_type3A_307 = tpu.bitcast %sub3A_306 : vector<16xi32> -> vector<16xi32>
          %lt3A_308 = arith.constant 1572864 : i32
          %lt3A_309 = vector.broadcast %lt3A_308 : i32 to vector<16xi32>
          %lt3A_310 = arith.cmpi ult, %bitcast_convert_type3A_307, %lt3A_309 : vector<16xi32>
          %add3A_311 = arith.addi %add3A_19, %add3A_234 : vector<16xi32>
          %select_n3A_312 = arith.select %lt3A_310, %add3A_311, %add3A_7 : vector<16xi1>, vector<16xi32>
          tpu.vector_store_idx %arg10[%select_n3A_312], %sub3A_306 : memref<10256xi32, #tpu.memory_space<vmem>>[vector<16xi32>], vector<16xi32>,
          tpu.vector_store_idx %arg11[%select_n3A_312], %get3A_304 : memref<10256xf32, #tpu.memory_space<vmem>>[vector<16xi32>], vector<16xf32>,
          %select_n3A_313 = arith.select %lt3A_310, %broadcast_in_dim3A_3, %broadcast_in_dim3A_5 : vector<16xi1>, vector<16xi32>
          %add3A_314 = arith.addi %add3A_234, %select_n3A_313 : vector<16xi32>
          %mul3A_315 = arith.constant 16 : i32
          %mul3A_316 = arith.muli %scan3A_153, %mul3A_315 : i32
          %add3A_317 = arith.constant 8 : i32
          %add3A_318 = arith.addi %mul3A_316, %add3A_317 : i32
          %mul3A_319 = arith.constant 16 : i32
          %mul3A_320 = arith.muli %add3A_318, %mul3A_319 : i32
          %get3A_321 = arith.index_cast %mul3A_320 : i32 to index
          %get3A_322 = tpu.vector_load %arg7[%get3A_321] {strides = array<i32>} : memref<2048xi32, #tpu.memory_space<vmem>>, vector<16xi32>,
          %get3A_323 = arith.index_cast %mul3A_320 : i32 to index
          %get3A_324 = tpu.vector_load %arg9[%get3A_323] {strides = array<i32>} : memref<2048xf32, #tpu.memory_space<vmem>>, vector<16xf32>,
          %sub3A_325 = vector.broadcast %mul3A_36 : i32 to vector<16xi32>
          %sub3A_326 = arith.subi %get3A_322, %sub3A_325 : vector<16xi32>
          %bitcast_convert_type3A_327 = tpu.bitcast %sub3A_326 : vector<16xi32> -> vector<16xi32>
          %lt3A_328 = arith.constant 1572864 : i32
          %lt3A_329 = vector.broadcast %lt3A_328 : i32 to vector<16xi32>
          %lt3A_330 = arith.cmpi ult, %bitcast_convert_type3A_327, %lt3A_329 : vector<16xi32>
          %add3A_331 = arith.addi %add3A_10, %add3A_254 : vector<16xi32>
          %select_n3A_332 = arith.select %lt3A_330, %add3A_331, %add3A_7 : vector<16xi1>, vector<16xi32>
          tpu.vector_store_idx %arg10[%select_n3A_332], %sub3A_326 : memref<10256xi32, #tpu.memory_space<vmem>>[vector<16xi32>], vector<16xi32>,
          tpu.vector_store_idx %arg11[%select_n3A_332], %get3A_324 : memref<10256xf32, #tpu.memory_space<vmem>>[vector<16xi32>], vector<16xf32>,
          %select_n3A_333 = arith.select %lt3A_330, %broadcast_in_dim3A_3, %broadcast_in_dim3A_5 : vector<16xi1>, vector<16xi32>
          %add3A_334 = arith.addi %add3A_254, %select_n3A_333 : vector<16xi32>
          %mul3A_335 = arith.constant 16 : i32
          %mul3A_336 = arith.muli %scan3A_153, %mul3A_335 : i32
          %add3A_337 = arith.constant 9 : i32
          %add3A_338 = arith.addi %mul3A_336, %add3A_337 : i32
          %mul3A_339 = arith.constant 16 : i32
          %mul3A_340 = arith.muli %add3A_338, %mul3A_339 : i32
          %get3A_341 = arith.index_cast %mul3A_340 : i32 to index
          %get3A_342 = tpu.vector_load %arg7[%get3A_341] {strides = array<i32>} : memref<2048xi32, #tpu.memory_space<vmem>>, vector<16xi32>,
          %get3A_343 = arith.index_cast %mul3A_340 : i32 to index
          %get3A_344 = tpu.vector_load %arg9[%get3A_343] {strides = array<i32>} : memref<2048xf32, #tpu.memory_space<vmem>>, vector<16xf32>,
          %sub3A_345 = vector.broadcast %mul3A_36 : i32 to vector<16xi32>
          %sub3A_346 = arith.subi %get3A_342, %sub3A_345 : vector<16xi32>
          %bitcast_convert_type3A_347 = tpu.bitcast %sub3A_346 : vector<16xi32> -> vector<16xi32>
          %lt3A_348 = arith.constant 1572864 : i32
          %lt3A_349 = vector.broadcast %lt3A_348 : i32 to vector<16xi32>
          %lt3A_350 = arith.cmpi ult, %bitcast_convert_type3A_347, %lt3A_349 : vector<16xi32>
          %add3A_351 = arith.addi %add3A_13, %add3A_274 : vector<16xi32>
          %select_n3A_352 = arith.select %lt3A_350, %add3A_351, %add3A_7 : vector<16xi1>, vector<16xi32>
          tpu.vector_store_idx %arg10[%select_n3A_352], %sub3A_346 : memref<10256xi32, #tpu.memory_space<vmem>>[vector<16xi32>], vector<16xi32>,
          tpu.vector_store_idx %arg11[%select_n3A_352], %get3A_344 : memref<10256xf32, #tpu.memory_space<vmem>>[vector<16xi32>], vector<16xf32>,
          %select_n3A_353 = arith.select %lt3A_350, %broadcast_in_dim3A_3, %broadcast_in_dim3A_5 : vector<16xi1>, vector<16xi32>
          %add3A_354 = arith.addi %add3A_274, %select_n3A_353 : vector<16xi32>
          %mul3A_355 = arith.constant 16 : i32
          %mul3A_356 = arith.muli %scan3A_153, %mul3A_355 : i32
          %add3A_357 = arith.constant 10 : i32
          %add3A_358 = arith.addi %mul3A_356, %add3A_357 : i32
          %mul3A_359 = arith.constant 16 : i32
          %mul3A_360 = arith.muli %add3A_358, %mul3A_359 : i32
          %get3A_361 = arith.index_cast %mul3A_360 : i32 to index
          %get3A_362 = tpu.vector_load %arg7[%get3A_361] {strides = array<i32>} : memref<2048xi32, #tpu.memory_space<vmem>>, vector<16xi32>,
          %get3A_363 = arith.index_cast %mul3A_360 : i32 to index
          %get3A_364 = tpu.vector_load %arg9[%get3A_363] {strides = array<i32>} : memref<2048xf32, #tpu.memory_space<vmem>>, vector<16xf32>,
          %sub3A_365 = vector.broadcast %mul3A_36 : i32 to vector<16xi32>
          %sub3A_366 = arith.subi %get3A_362, %sub3A_365 : vector<16xi32>
          %bitcast_convert_type3A_367 = tpu.bitcast %sub3A_366 : vector<16xi32> -> vector<16xi32>
          %lt3A_368 = arith.constant 1572864 : i32
          %lt3A_369 = vector.broadcast %lt3A_368 : i32 to vector<16xi32>
          %lt3A_370 = arith.cmpi ult, %bitcast_convert_type3A_367, %lt3A_369 : vector<16xi32>
          %add3A_371 = arith.addi %add3A_16, %add3A_294 : vector<16xi32>
          %select_n3A_372 = arith.select %lt3A_370, %add3A_371, %add3A_7 : vector<16xi1>, vector<16xi32>
          tpu.vector_store_idx %arg10[%select_n3A_372], %sub3A_366 : memref<10256xi32, #tpu.memory_space<vmem>>[vector<16xi32>], vector<16xi32>,
          tpu.vector_store_idx %arg11[%select_n3A_372], %get3A_364 : memref<10256xf32, #tpu.memory_space<vmem>>[vector<16xi32>], vector<16xf32>,
          %select_n3A_373 = arith.select %lt3A_370, %broadcast_in_dim3A_3, %broadcast_in_dim3A_5 : vector<16xi1>, vector<16xi32>
          %add3A_374 = arith.addi %add3A_294, %select_n3A_373 : vector<16xi32>
          %mul3A_375 = arith.constant 16 : i32
          %mul3A_376 = arith.muli %scan3A_153, %mul3A_375 : i32
          %add3A_377 = arith.constant 11 : i32
          %add3A_378 = arith.addi %mul3A_376, %add3A_377 : i32
          %mul3A_379 = arith.constant 16 : i32
          %mul3A_380 = arith.muli %add3A_378, %mul3A_379 : i32
          %get3A_381 = arith.index_cast %mul3A_380 : i32 to index
          %get3A_382 = tpu.vector_load %arg7[%get3A_381] {strides = array<i32>} : memref<2048xi32, #tpu.memory_space<vmem>>, vector<16xi32>,
          %get3A_383 = arith.index_cast %mul3A_380 : i32 to index
          %get3A_384 = tpu.vector_load %arg9[%get3A_383] {strides = array<i32>} : memref<2048xf32, #tpu.memory_space<vmem>>, vector<16xf32>,
          %sub3A_385 = vector.broadcast %mul3A_36 : i32 to vector<16xi32>
          %sub3A_386 = arith.subi %get3A_382, %sub3A_385 : vector<16xi32>
          %bitcast_convert_type3A_387 = tpu.bitcast %sub3A_386 : vector<16xi32> -> vector<16xi32>
          %lt3A_388 = arith.constant 1572864 : i32
          %lt3A_389 = vector.broadcast %lt3A_388 : i32 to vector<16xi32>
          %lt3A_390 = arith.cmpi ult, %bitcast_convert_type3A_387, %lt3A_389 : vector<16xi32>
          %add3A_391 = arith.addi %add3A_19, %add3A_314 : vector<16xi32>
          %select_n3A_392 = arith.select %lt3A_390, %add3A_391, %add3A_7 : vector<16xi1>, vector<16xi32>
          tpu.vector_store_idx %arg10[%select_n3A_392], %sub3A_386 : memref<10256xi32, #tpu.memory_space<vmem>>[vector<16xi32>], vector<16xi32>,
          tpu.vector_store_idx %arg11[%select_n3A_392], %get3A_384 : memref<10256xf32, #tpu.memory_space<vmem>>[vector<16xi32>], vector<16xf32>,
          %select_n3A_393 = arith.select %lt3A_390, %broadcast_in_dim3A_3, %broadcast_in_dim3A_5 : vector<16xi1>, vector<16xi32>
          %add3A_394 = arith.addi %add3A_314, %select_n3A_393 : vector<16xi32>
          %mul3A_395 = arith.constant 16 : i32
          %mul3A_396 = arith.muli %scan3A_153, %mul3A_395 : i32
          %add3A_397 = arith.constant 12 : i32
          %add3A_398 = arith.addi %mul3A_396, %add3A_397 : i32
          %mul3A_399 = arith.constant 16 : i32
          %mul3A_400 = arith.muli %add3A_398, %mul3A_399 : i32
          %get3A_401 = arith.index_cast %mul3A_400 : i32 to index
          %get3A_402 = tpu.vector_load %arg7[%get3A_401] {strides = array<i32>} : memref<2048xi32, #tpu.memory_space<vmem>>, vector<16xi32>,
          %get3A_403 = arith.index_cast %mul3A_400 : i32 to index
          %get3A_404 = tpu.vector_load %arg9[%get3A_403] {strides = array<i32>} : memref<2048xf32, #tpu.memory_space<vmem>>, vector<16xf32>,
          %sub3A_405 = vector.broadcast %mul3A_36 : i32 to vector<16xi32>
          %sub3A_406 = arith.subi %get3A_402, %sub3A_405 : vector<16xi32>
          %bitcast_convert_type3A_407 = tpu.bitcast %sub3A_406 : vector<16xi32> -> vector<16xi32>
          %lt3A_408 = arith.constant 1572864 : i32
          %lt3A_409 = vector.broadcast %lt3A_408 : i32 to vector<16xi32>
          %lt3A_410 = arith.cmpi ult, %bitcast_convert_type3A_407, %lt3A_409 : vector<16xi32>
          %add3A_411 = arith.addi %add3A_10, %add3A_334 : vector<16xi32>
          %select_n3A_412 = arith.select %lt3A_410, %add3A_411, %add3A_7 : vector<16xi1>, vector<16xi32>
          tpu.vector_store_idx %arg10[%select_n3A_412], %sub3A_406 : memref<10256xi32, #tpu.memory_space<vmem>>[vector<16xi32>], vector<16xi32>,
          tpu.vector_store_idx %arg11[%select_n3A_412], %get3A_404 : memref<10256xf32, #tpu.memory_space<vmem>>[vector<16xi32>], vector<16xf32>,
          %select_n3A_413 = arith.select %lt3A_410, %broadcast_in_dim3A_3, %broadcast_in_dim3A_5 : vector<16xi1>, vector<16xi32>
          %add3A_414 = arith.addi %add3A_334, %select_n3A_413 : vector<16xi32>
          %mul3A_415 = arith.constant 16 : i32
          %mul3A_416 = arith.muli %scan3A_153, %mul3A_415 : i32
          %add3A_417 = arith.constant 13 : i32
          %add3A_418 = arith.addi %mul3A_416, %add3A_417 : i32
          %mul3A_419 = arith.constant 16 : i32
          %mul3A_420 = arith.muli %add3A_418, %mul3A_419 : i32
          %get3A_421 = arith.index_cast %mul3A_420 : i32 to index
          %get3A_422 = tpu.vector_load %arg7[%get3A_421] {strides = array<i32>} : memref<2048xi32, #tpu.memory_space<vmem>>, vector<16xi32>,
          %get3A_423 = arith.index_cast %mul3A_420 : i32 to index
          %get3A_424 = tpu.vector_load %arg9[%get3A_423] {strides = array<i32>} : memref<2048xf32, #tpu.memory_space<vmem>>, vector<16xf32>,
          %sub3A_425 = vector.broadcast %mul3A_36 : i32 to vector<16xi32>
          %sub3A_426 = arith.subi %get3A_422, %sub3A_425 : vector<16xi32>
          %bitcast_convert_type3A_427 = tpu.bitcast %sub3A_426 : vector<16xi32> -> vector<16xi32>
          %lt3A_428 = arith.constant 1572864 : i32
          %lt3A_429 = vector.broadcast %lt3A_428 : i32 to vector<16xi32>
          %lt3A_430 = arith.cmpi ult, %bitcast_convert_type3A_427, %lt3A_429 : vector<16xi32>
          %add3A_431 = arith.addi %add3A_13, %add3A_354 : vector<16xi32>
          %select_n3A_432 = arith.select %lt3A_430, %add3A_431, %add3A_7 : vector<16xi1>, vector<16xi32>
          tpu.vector_store_idx %arg10[%select_n3A_432], %sub3A_426 : memref<10256xi32, #tpu.memory_space<vmem>>[vector<16xi32>], vector<16xi32>,
          tpu.vector_store_idx %arg11[%select_n3A_432], %get3A_424 : memref<10256xf32, #tpu.memory_space<vmem>>[vector<16xi32>], vector<16xf32>,
          %select_n3A_433 = arith.select %lt3A_430, %broadcast_in_dim3A_3, %broadcast_in_dim3A_5 : vector<16xi1>, vector<16xi32>
          %add3A_434 = arith.addi %add3A_354, %select_n3A_433 : vector<16xi32>
          %mul3A_435 = arith.constant 16 : i32
          %mul3A_436 = arith.muli %scan3A_153, %mul3A_435 : i32
          %add3A_437 = arith.constant 14 : i32
          %add3A_438 = arith.addi %mul3A_436, %add3A_437 : i32
          %mul3A_439 = arith.constant 16 : i32
          %mul3A_440 = arith.muli %add3A_438, %mul3A_439 : i32
          %get3A_441 = arith.index_cast %mul3A_440 : i32 to index
          %get3A_442 = tpu.vector_load %arg7[%get3A_441] {strides = array<i32>} : memref<2048xi32, #tpu.memory_space<vmem>>, vector<16xi32>,
          %get3A_443 = arith.index_cast %mul3A_440 : i32 to index
          %get3A_444 = tpu.vector_load %arg9[%get3A_443] {strides = array<i32>} : memref<2048xf32, #tpu.memory_space<vmem>>, vector<16xf32>,
          %sub3A_445 = vector.broadcast %mul3A_36 : i32 to vector<16xi32>
          %sub3A_446 = arith.subi %get3A_442, %sub3A_445 : vector<16xi32>
          %bitcast_convert_type3A_447 = tpu.bitcast %sub3A_446 : vector<16xi32> -> vector<16xi32>
          %lt3A_448 = arith.constant 1572864 : i32
          %lt3A_449 = vector.broadcast %lt3A_448 : i32 to vector<16xi32>
          %lt3A_450 = arith.cmpi ult, %bitcast_convert_type3A_447, %lt3A_449 : vector<16xi32>
          %add3A_451 = arith.addi %add3A_16, %add3A_374 : vector<16xi32>
          %select_n3A_452 = arith.select %lt3A_450, %add3A_451, %add3A_7 : vector<16xi1>, vector<16xi32>
          tpu.vector_store_idx %arg10[%select_n3A_452], %sub3A_446 : memref<10256xi32, #tpu.memory_space<vmem>>[vector<16xi32>], vector<16xi32>,
          tpu.vector_store_idx %arg11[%select_n3A_452], %get3A_444 : memref<10256xf32, #tpu.memory_space<vmem>>[vector<16xi32>], vector<16xf32>,
          %select_n3A_453 = arith.select %lt3A_450, %broadcast_in_dim3A_3, %broadcast_in_dim3A_5 : vector<16xi1>, vector<16xi32>
          %add3A_454 = arith.addi %add3A_374, %select_n3A_453 : vector<16xi32>
          %mul3A_455 = arith.constant 16 : i32
          %mul3A_456 = arith.muli %scan3A_153, %mul3A_455 : i32
          %add3A_457 = arith.constant 15 : i32
          %add3A_458 = arith.addi %mul3A_456, %add3A_457 : i32
          %mul3A_459 = arith.constant 16 : i32
          %mul3A_460 = arith.muli %add3A_458, %mul3A_459 : i32
          %get3A_461 = arith.index_cast %mul3A_460 : i32 to index
          %get3A_462 = tpu.vector_load %arg7[%get3A_461] {strides = array<i32>} : memref<2048xi32, #tpu.memory_space<vmem>>, vector<16xi32>,
          %get3A_463 = arith.index_cast %mul3A_460 : i32 to index
          %get3A_464 = tpu.vector_load %arg9[%get3A_463] {strides = array<i32>} : memref<2048xf32, #tpu.memory_space<vmem>>, vector<16xf32>,
          %sub3A_465 = vector.broadcast %mul3A_36 : i32 to vector<16xi32>
          %sub3A_466 = arith.subi %get3A_462, %sub3A_465 : vector<16xi32>
          %bitcast_convert_type3A_467 = tpu.bitcast %sub3A_466 : vector<16xi32> -> vector<16xi32>
          %lt3A_468 = arith.constant 1572864 : i32
          %lt3A_469 = vector.broadcast %lt3A_468 : i32 to vector<16xi32>
          %lt3A_470 = arith.cmpi ult, %bitcast_convert_type3A_467, %lt3A_469 : vector<16xi32>
          %add3A_471 = arith.addi %add3A_19, %add3A_394 : vector<16xi32>
          %select_n3A_472 = arith.select %lt3A_470, %add3A_471, %add3A_7 : vector<16xi1>, vector<16xi32>
          tpu.vector_store_idx %arg10[%select_n3A_472], %sub3A_466 : memref<10256xi32, #tpu.memory_space<vmem>>[vector<16xi32>], vector<16xi32>,
          tpu.vector_store_idx %arg11[%select_n3A_472], %get3A_464 : memref<10256xf32, #tpu.memory_space<vmem>>[vector<16xi32>], vector<16xf32>,
          %select_n3A_473 = arith.select %lt3A_470, %broadcast_in_dim3A_3, %broadcast_in_dim3A_5 : vector<16xi1>, vector<16xi32>
          %add3A_474 = arith.addi %add3A_394, %select_n3A_473 : vector<16xi32>
          scf.yield %add3A_414, %add3A_434, %add3A_454, %add3A_474 : vector<16xi32>, vector<16xi32>, vector<16xi32>, vector<16xi32>
        }
        %scan3A_125 = arith.constant 8 : i32
        %add3A_126 = arith.constant 2 : i32
        %add3A_127 = arith.addi %add3A_112, %add3A_126 : i32
        %lt3A_128 = arith.constant 384 : i32
        %lt3A_129 = arith.cmpi slt, %add3A_127, %lt3A_128 : i32
        %convert_element_type3A_130 = arith.extui %lt3A_129 : i1 to i32
        %cond3A_131 = arith.constant 0 : i32
        %cond3A_132 = arith.cmpi ne, %convert_element_type3A_130, %cond3A_131 : i32
        scf.if %cond3A_132 {
          %add3A_153 = arith.constant 2 : i32
          %add3A_154 = arith.addi %add3A_112, %add3A_153 : i32
          %mul3A_155 = arith.constant 2048 : i32
          %mul3A_156 = arith.muli %add3A_154, %mul3A_155 : i32
          %add3A_157 = arith.addi %mul3A_0, %mul3A_156 : i32
          %dma_start3A_158 = tpu.memref_slice %arg3[%add3A_157] : memref<12582912xi32, #tpu.memory_space<hbm>> -> memref<2048xi32, #tpu.memory_space<hbm>>
          %dma_start3A_159 = tpu.memref_slice %arg3[%add3A_157] : memref<12582912xi32, #tpu.memory_space<hbm>> -> memref<2048xi32, #tpu.memory_space<hbm>>
          tpu.enqueue_dma source(%dma_start3A_159 : memref<2048xi32, #tpu.memory_space<hbm>>) target(%arg7 : memref<2048xi32, #tpu.memory_space<vmem>>) target_semaphore(%arg14 : memref<!tpu.dma_semaphore, #tpu.memory_space<semaphore_mem>>)
          %dma_start3A_160 = tpu.memref_slice %arg2[%add3A_157] : memref<12582912xf32, #tpu.memory_space<hbm>> -> memref<2048xf32, #tpu.memory_space<hbm>>
          %dma_start3A_161 = tpu.memref_slice %arg2[%add3A_157] : memref<12582912xf32, #tpu.memory_space<hbm>> -> memref<2048xf32, #tpu.memory_space<hbm>>
          tpu.enqueue_dma source(%dma_start3A_161 : memref<2048xf32, #tpu.memory_space<hbm>>) target(%arg9 : memref<2048xf32, #tpu.memory_space<vmem>>) target_semaphore(%arg14 : memref<!tpu.dma_semaphore, #tpu.memory_space<semaphore_mem>>)
        } else {
        }
        %max3A_133 = arith.maxsi %scan3A_124#0, %scan3A_124#1 : vector<16xi32>
        %max3A_134 = arith.maxsi %scan3A_124#2, %scan3A_124#3 : vector<16xi32>
        %max3A_135 = arith.maxsi %max3A_133, %max3A_134 : vector<16xi32>
        %reduce_max3A_136 = arith.constant true
        %reduce_max3A_137 = vector.broadcast %reduce_max3A_136 : i1 to vector<16xi1>
        %reduce_max3A_138 = arith.constant -2147483648 : i32
        %reduce_max3A_139 = vector.broadcast %reduce_max3A_138 : i32 to vector<16xi32>
        %reduce_max3A_140 = arith.xori %max3A_135, %reduce_max3A_139 : vector<16xi32>
        %reduce_max3A_141 = tpu.scan <max>, %reduce_max3A_140 masked %reduce_max3A_137 : vector<16xi32>, vector<16xi1> -> vector<16xi32>
        %reduce_max3A_142 = arith.xori %reduce_max3A_141, %reduce_max3A_139 : vector<16xi32>
        %reduce_max3A_143 = vector.extract %reduce_max3A_142[15] : i32 from vector<16xi32>
        %ge3A_144 = arith.constant 2048 : i32
        %ge3A_145 = arith.cmpi sge, %reduce_max3A_143, %ge3A_144 : i32
        %convert_element_type3A_146 = arith.extui %ge3A_145 : i1 to i32
        %cond3A_147 = arith.constant 0 : i32
        %cond3A_148 = arith.cmpi ne, %convert_element_type3A_146, %cond3A_147 : i32
        scf.if %cond3A_148 {
          "tpu.region"() ({
            %run_scoped3A = tpu.sem_alloc : memref<!tpu.dma_semaphore, #tpu.memory_space<semaphore_mem>>
            %dma_start3A_159 = arith.constant 0 : i32
            %dma_start3A_160 = tpu.memref_slice %arg11[%dma_start3A_159] : memref<10256xf32, #tpu.memory_space<vmem>> -> memref<2048xf32, #tpu.memory_space<vmem>>
            %dma_start3A_161 = arith.constant 0 : i32
            %dma_start3A_162 = tpu.memref_slice %arg10[%dma_start3A_161] : memref<10256xi32, #tpu.memory_space<vmem>> -> memref<2048xi32, #tpu.memory_space<vmem>>
            %dma_start3A_163 = arith.constant 0 : i32
            %dma_start3A_164 = tpu.memref_slice %arg12[%dma_start3A_163] : memref<1572864xf32, #tpu.memory_space<vmem_shared>> -> memref<1572864xf32, #tpu.memory_space<vmem_shared>>
            %dma_start3A_165 = arith.constant -1 : i32
            tpu.enqueue_indirect_dma source(%dma_start3A_160 : memref<2048xf32, #tpu.memory_space<vmem>>) target(%dma_start3A_164 : memref<1572864xf32, #tpu.memory_space<vmem_shared>>) offsets(%dma_start3A_162 : memref<2048xi32, #tpu.memory_space<vmem>>) offset_filter(%dma_start3A_165) semaphore(%run_scoped3A : memref<!tpu.dma_semaphore, #tpu.memory_space<semaphore_mem>>) {add = true}
            %dma_wait3A_166 = arith.constant 0 : i32
            %dma_wait3A_167 = tpu.memref_slice %arg11[%dma_wait3A_166] : memref<10256xf32, #tpu.memory_space<vmem>> -> memref<2048xf32, #tpu.memory_space<vmem>>
            %dma_wait3A_168 = arith.constant 0 : i32
            %dma_wait3A_169 = tpu.memref_slice %arg10[%dma_wait3A_168] : memref<10256xi32, #tpu.memory_space<vmem>> -> memref<2048xi32, #tpu.memory_space<vmem>>
            %dma_wait3A_170 = arith.constant 0 : i32
            %dma_wait3A_171 = tpu.memref_slice %arg12[%dma_wait3A_170] : memref<1572864xf32, #tpu.memory_space<vmem_shared>> -> memref<1572864xf32, #tpu.memory_space<vmem_shared>>
            tpu.wait_indirect_dma semaphore(%run_scoped3A : memref<!tpu.dma_semaphore, #tpu.memory_space<semaphore_mem>>) src(%dma_wait3A_167 : memref<2048xf32, #tpu.memory_space<vmem>>) dst(%dma_wait3A_171 : memref<1572864xf32, #tpu.memory_space<vmem_shared>>)
            tpu.yield
          }) : () -> ()
          "tpu.region"() ({
            %run_scoped3A = tpu.sem_alloc : memref<!tpu.dma_semaphore, #tpu.memory_space<semaphore_mem>>
            %dma_start3A_159 = arith.constant 2048 : i32
            %dma_start3A_160 = tpu.memref_slice %arg11[%dma_start3A_159] : memref<10256xf32, #tpu.memory_space<vmem>> -> memref<2048xf32, #tpu.memory_space<vmem>>
            %dma_start3A_161 = arith.constant 2048 : i32
            %dma_start3A_162 = tpu.memref_slice %arg10[%dma_start3A_161] : memref<10256xi32, #tpu.memory_space<vmem>> -> memref<2048xi32, #tpu.memory_space<vmem>>
            %dma_start3A_163 = arith.constant 0 : i32
            %dma_start3A_164 = tpu.memref_slice %arg12[%dma_start3A_163] : memref<1572864xf32, #tpu.memory_space<vmem_shared>> -> memref<1572864xf32, #tpu.memory_space<vmem_shared>>
            %dma_start3A_165 = arith.constant -1 : i32
            tpu.enqueue_indirect_dma source(%dma_start3A_160 : memref<2048xf32, #tpu.memory_space<vmem>>) target(%dma_start3A_164 : memref<1572864xf32, #tpu.memory_space<vmem_shared>>) offsets(%dma_start3A_162 : memref<2048xi32, #tpu.memory_space<vmem>>) offset_filter(%dma_start3A_165) semaphore(%run_scoped3A : memref<!tpu.dma_semaphore, #tpu.memory_space<semaphore_mem>>) {add = true}
            %dma_wait3A_166 = arith.constant 2048 : i32
            %dma_wait3A_167 = tpu.memref_slice %arg11[%dma_wait3A_166] : memref<10256xf32, #tpu.memory_space<vmem>> -> memref<2048xf32, #tpu.memory_space<vmem>>
            %dma_wait3A_168 = arith.constant 2048 : i32
            %dma_wait3A_169 = tpu.memref_slice %arg10[%dma_wait3A_168] : memref<10256xi32, #tpu.memory_space<vmem>> -> memref<2048xi32, #tpu.memory_space<vmem>>
            %dma_wait3A_170 = arith.constant 0 : i32
            %dma_wait3A_171 = tpu.memref_slice %arg12[%dma_wait3A_170] : memref<1572864xf32, #tpu.memory_space<vmem_shared>> -> memref<1572864xf32, #tpu.memory_space<vmem_shared>>
            tpu.wait_indirect_dma semaphore(%run_scoped3A : memref<!tpu.dma_semaphore, #tpu.memory_space<semaphore_mem>>) src(%dma_wait3A_167 : memref<2048xf32, #tpu.memory_space<vmem>>) dst(%dma_wait3A_171 : memref<1572864xf32, #tpu.memory_space<vmem_shared>>)
            tpu.yield
          }) : () -> ()
          "tpu.region"() ({
            %run_scoped3A = tpu.sem_alloc : memref<!tpu.dma_semaphore, #tpu.memory_space<semaphore_mem>>
            %dma_start3A_159 = arith.constant 4096 : i32
            %dma_start3A_160 = tpu.memref_slice %arg11[%dma_start3A_159] : memref<10256xf32, #tpu.memory_space<vmem>> -> memref<2048xf32, #tpu.memory_space<vmem>>
            %dma_start3A_161 = arith.constant 4096 : i32
            %dma_start3A_162 = tpu.memref_slice %arg10[%dma_start3A_161] : memref<10256xi32, #tpu.memory_space<vmem>> -> memref<2048xi32, #tpu.memory_space<vmem>>
            %dma_start3A_163 = arith.constant 0 : i32
            %dma_start3A_164 = tpu.memref_slice %arg12[%dma_start3A_163] : memref<1572864xf32, #tpu.memory_space<vmem_shared>> -> memref<1572864xf32, #tpu.memory_space<vmem_shared>>
            %dma_start3A_165 = arith.constant -1 : i32
            tpu.enqueue_indirect_dma source(%dma_start3A_160 : memref<2048xf32, #tpu.memory_space<vmem>>) target(%dma_start3A_164 : memref<1572864xf32, #tpu.memory_space<vmem_shared>>) offsets(%dma_start3A_162 : memref<2048xi32, #tpu.memory_space<vmem>>) offset_filter(%dma_start3A_165) semaphore(%run_scoped3A : memref<!tpu.dma_semaphore, #tpu.memory_space<semaphore_mem>>) {add = true}
            %dma_wait3A_166 = arith.constant 4096 : i32
            %dma_wait3A_167 = tpu.memref_slice %arg11[%dma_wait3A_166] : memref<10256xf32, #tpu.memory_space<vmem>> -> memref<2048xf32, #tpu.memory_space<vmem>>
            %dma_wait3A_168 = arith.constant 4096 : i32
            %dma_wait3A_169 = tpu.memref_slice %arg10[%dma_wait3A_168] : memref<10256xi32, #tpu.memory_space<vmem>> -> memref<2048xi32, #tpu.memory_space<vmem>>
            %dma_wait3A_170 = arith.constant 0 : i32
            %dma_wait3A_171 = tpu.memref_slice %arg12[%dma_wait3A_170] : memref<1572864xf32, #tpu.memory_space<vmem_shared>> -> memref<1572864xf32, #tpu.memory_space<vmem_shared>>
            tpu.wait_indirect_dma semaphore(%run_scoped3A : memref<!tpu.dma_semaphore, #tpu.memory_space<semaphore_mem>>) src(%dma_wait3A_167 : memref<2048xf32, #tpu.memory_space<vmem>>) dst(%dma_wait3A_171 : memref<1572864xf32, #tpu.memory_space<vmem_shared>>)
            tpu.yield
          }) : () -> ()
          "tpu.region"() ({
            %run_scoped3A = tpu.sem_alloc : memref<!tpu.dma_semaphore, #tpu.memory_space<semaphore_mem>>
            %dma_start3A_159 = arith.constant 6144 : i32
            %dma_start3A_160 = tpu.memref_slice %arg11[%dma_start3A_159] : memref<10256xf32, #tpu.memory_space<vmem>> -> memref<2048xf32, #tpu.memory_space<vmem>>
            %dma_start3A_161 = arith.constant 6144 : i32
            %dma_start3A_162 = tpu.memref_slice %arg10[%dma_start3A_161] : memref<10256xi32, #tpu.memory_space<vmem>> -> memref<2048xi32, #tpu.memory_space<vmem>>
            %dma_start3A_163 = arith.constant 0 : i32
            %dma_start3A_164 = tpu.memref_slice %arg12[%dma_start3A_163] : memref<1572864xf32, #tpu.memory_space<vmem_shared>> -> memref<1572864xf32, #tpu.memory_space<vmem_shared>>
            %dma_start3A_165 = arith.constant -1 : i32
            tpu.enqueue_indirect_dma source(%dma_start3A_160 : memref<2048xf32, #tpu.memory_space<vmem>>) target(%dma_start3A_164 : memref<1572864xf32, #tpu.memory_space<vmem_shared>>) offsets(%dma_start3A_162 : memref<2048xi32, #tpu.memory_space<vmem>>) offset_filter(%dma_start3A_165) semaphore(%run_scoped3A : memref<!tpu.dma_semaphore, #tpu.memory_space<semaphore_mem>>) {add = true}
            %dma_wait3A_166 = arith.constant 6144 : i32
            %dma_wait3A_167 = tpu.memref_slice %arg11[%dma_wait3A_166] : memref<10256xf32, #tpu.memory_space<vmem>> -> memref<2048xf32, #tpu.memory_space<vmem>>
            %dma_wait3A_168 = arith.constant 6144 : i32
            %dma_wait3A_169 = tpu.memref_slice %arg10[%dma_wait3A_168] : memref<10256xi32, #tpu.memory_space<vmem>> -> memref<2048xi32, #tpu.memory_space<vmem>>
            %dma_wait3A_170 = arith.constant 0 : i32
            %dma_wait3A_171 = tpu.memref_slice %arg12[%dma_wait3A_170] : memref<1572864xf32, #tpu.memory_space<vmem_shared>> -> memref<1572864xf32, #tpu.memory_space<vmem_shared>>
            tpu.wait_indirect_dma semaphore(%run_scoped3A : memref<!tpu.dma_semaphore, #tpu.memory_space<semaphore_mem>>) src(%dma_wait3A_167 : memref<2048xf32, #tpu.memory_space<vmem>>) dst(%dma_wait3A_171 : memref<1572864xf32, #tpu.memory_space<vmem_shared>>)
            tpu.yield
          }) : () -> ()
          "tpu.region"() ({
            %run_scoped3A = tpu.sem_alloc : memref<!tpu.dma_semaphore, #tpu.memory_space<semaphore_mem>>
            %dma_start3A_159 = arith.constant 8192 : i32
            %dma_start3A_160 = tpu.memref_slice %arg11[%dma_start3A_159] : memref<10256xf32, #tpu.memory_space<vmem>> -> memref<2048xf32, #tpu.memory_space<vmem>>
            %dma_start3A_161 = arith.constant 8192 : i32
            %dma_start3A_162 = tpu.memref_slice %arg10[%dma_start3A_161] : memref<10256xi32, #tpu.memory_space<vmem>> -> memref<2048xi32, #tpu.memory_space<vmem>>
            %dma_start3A_163 = arith.constant 0 : i32
            %dma_start3A_164 = tpu.memref_slice %arg12[%dma_start3A_163] : memref<1572864xf32, #tpu.memory_space<vmem_shared>> -> memref<1572864xf32, #tpu.memory_space<vmem_shared>>
            %dma_start3A_165 = arith.constant -1 : i32
            tpu.enqueue_indirect_dma source(%dma_start3A_160 : memref<2048xf32, #tpu.memory_space<vmem>>) target(%dma_start3A_164 : memref<1572864xf32, #tpu.memory_space<vmem_shared>>) offsets(%dma_start3A_162 : memref<2048xi32, #tpu.memory_space<vmem>>) offset_filter(%dma_start3A_165) semaphore(%run_scoped3A : memref<!tpu.dma_semaphore, #tpu.memory_space<semaphore_mem>>) {add = true}
            %dma_wait3A_166 = arith.constant 8192 : i32
            %dma_wait3A_167 = tpu.memref_slice %arg11[%dma_wait3A_166] : memref<10256xf32, #tpu.memory_space<vmem>> -> memref<2048xf32, #tpu.memory_space<vmem>>
            %dma_wait3A_168 = arith.constant 8192 : i32
            %dma_wait3A_169 = tpu.memref_slice %arg10[%dma_wait3A_168] : memref<10256xi32, #tpu.memory_space<vmem>> -> memref<2048xi32, #tpu.memory_space<vmem>>
            %dma_wait3A_170 = arith.constant 0 : i32
            %dma_wait3A_171 = tpu.memref_slice %arg12[%dma_wait3A_170] : memref<1572864xf32, #tpu.memory_space<vmem_shared>> -> memref<1572864xf32, #tpu.memory_space<vmem_shared>>
            tpu.wait_indirect_dma semaphore(%run_scoped3A : memref<!tpu.dma_semaphore, #tpu.memory_space<semaphore_mem>>) src(%dma_wait3A_167 : memref<2048xf32, #tpu.memory_space<vmem>>) dst(%dma_wait3A_171 : memref<1572864xf32, #tpu.memory_space<vmem_shared>>)
            tpu.yield
          }) : () -> ()
          %scan3A_153 = arith.constant 0 : i32
          %scan3A_154 = arith.constant 0 : i32
          %scan3A_155 = arith.constant 640 : i32
          %scan3A_156 = arith.addi %scan3A_154, %scan3A_155 : i32
          %scan3A_157 = arith.constant 1 : i32
          scf.for %scan3A_159 = %scan3A_154 to %scan3A_156 step %scan3A_157  : i32 {
            %mul3A_160 = arith.constant 16 : i32
            %mul3A_161 = arith.muli %scan3A_159, %mul3A_160 : i32
            %swap3A = arith.index_cast %mul3A_161 : i32 to index
            %swap3A_162 = tpu.vector_load %arg10[%swap3A] {strides = array<i32>} : memref<10256xi32, #tpu.memory_space<vmem>>, vector<16xi32>,
            tpu.vector_store %arg10[%swap3A], %broadcast_in_dim3A_1 {strides = array<i32>} : memref<10256xi32, #tpu.memory_space<vmem>>, vector<16xi32>,
          }
          %scan3A_158 = arith.constant 640 : i32
        } else {
        }
        %select_n3A_149 = arith.select %ge3A_145, %broadcast_in_dim3A_5, %scan3A_124#0 : vector<16xi32>
        %select_n3A_150 = arith.select %ge3A_145, %broadcast_in_dim3A_5, %scan3A_124#1 : vector<16xi32>
        %select_n3A_151 = arith.select %ge3A_145, %broadcast_in_dim3A_5, %scan3A_124#2 : vector<16xi32>
        %select_n3A_152 = arith.select %ge3A_145, %broadcast_in_dim3A_5, %scan3A_124#3 : vector<16xi32>
        scf.yield %select_n3A_149, %select_n3A_150, %select_n3A_151, %select_n3A_152 : vector<16xi32>, vector<16xi32>, vector<16xi32>, vector<16xi32>
      }
      %scan3A_55 = arith.constant 192 : i32
      "tpu.region"() ({
        %run_scoped3A = tpu.sem_alloc : memref<!tpu.dma_semaphore, #tpu.memory_space<semaphore_mem>>
        %dma_start3A_68 = arith.constant 0 : i32
        %dma_start3A_69 = tpu.memref_slice %arg11[%dma_start3A_68] : memref<10256xf32, #tpu.memory_space<vmem>> -> memref<2048xf32, #tpu.memory_space<vmem>>
        %dma_start3A_70 = arith.constant 0 : i32
        %dma_start3A_71 = tpu.memref_slice %arg10[%dma_start3A_70] : memref<10256xi32, #tpu.memory_space<vmem>> -> memref<2048xi32, #tpu.memory_space<vmem>>
        %dma_start3A_72 = arith.constant 0 : i32
        %dma_start3A_73 = tpu.memref_slice %arg12[%dma_start3A_72] : memref<1572864xf32, #tpu.memory_space<vmem_shared>> -> memref<1572864xf32, #tpu.memory_space<vmem_shared>>
        %dma_start3A_74 = arith.constant -1 : i32
        tpu.enqueue_indirect_dma source(%dma_start3A_69 : memref<2048xf32, #tpu.memory_space<vmem>>) target(%dma_start3A_73 : memref<1572864xf32, #tpu.memory_space<vmem_shared>>) offsets(%dma_start3A_71 : memref<2048xi32, #tpu.memory_space<vmem>>) offset_filter(%dma_start3A_74) semaphore(%run_scoped3A : memref<!tpu.dma_semaphore, #tpu.memory_space<semaphore_mem>>) {add = true}
        %dma_wait3A = arith.constant 0 : i32
        %dma_wait3A_75 = tpu.memref_slice %arg11[%dma_wait3A] : memref<10256xf32, #tpu.memory_space<vmem>> -> memref<2048xf32, #tpu.memory_space<vmem>>
        %dma_wait3A_76 = arith.constant 0 : i32
        %dma_wait3A_77 = tpu.memref_slice %arg10[%dma_wait3A_76] : memref<10256xi32, #tpu.memory_space<vmem>> -> memref<2048xi32, #tpu.memory_space<vmem>>
        %dma_wait3A_78 = arith.constant 0 : i32
        %dma_wait3A_79 = tpu.memref_slice %arg12[%dma_wait3A_78] : memref<1572864xf32, #tpu.memory_space<vmem_shared>> -> memref<1572864xf32, #tpu.memory_space<vmem_shared>>
        tpu.wait_indirect_dma semaphore(%run_scoped3A : memref<!tpu.dma_semaphore, #tpu.memory_space<semaphore_mem>>) src(%dma_wait3A_75 : memref<2048xf32, #tpu.memory_space<vmem>>) dst(%dma_wait3A_79 : memref<1572864xf32, #tpu.memory_space<vmem_shared>>)
        tpu.yield
      }) : () -> ()
      "tpu.region"() ({
        %run_scoped3A = tpu.sem_alloc : memref<!tpu.dma_semaphore, #tpu.memory_space<semaphore_mem>>
        %dma_start3A_68 = arith.constant 2048 : i32
        %dma_start3A_69 = tpu.memref_slice %arg11[%dma_start3A_68] : memref<10256xf32, #tpu.memory_space<vmem>> -> memref<2048xf32, #tpu.memory_space<vmem>>
        %dma_start3A_70 = arith.constant 2048 : i32
        %dma_start3A_71 = tpu.memref_slice %arg10[%dma_start3A_70] : memref<10256xi32, #tpu.memory_space<vmem>> -> memref<2048xi32, #tpu.memory_space<vmem>>
        %dma_start3A_72 = arith.constant 0 : i32
        %dma_start3A_73 = tpu.memref_slice %arg12[%dma_start3A_72] : memref<1572864xf32, #tpu.memory_space<vmem_shared>> -> memref<1572864xf32, #tpu.memory_space<vmem_shared>>
        %dma_start3A_74 = arith.constant -1 : i32
        tpu.enqueue_indirect_dma source(%dma_start3A_69 : memref<2048xf32, #tpu.memory_space<vmem>>) target(%dma_start3A_73 : memref<1572864xf32, #tpu.memory_space<vmem_shared>>) offsets(%dma_start3A_71 : memref<2048xi32, #tpu.memory_space<vmem>>) offset_filter(%dma_start3A_74) semaphore(%run_scoped3A : memref<!tpu.dma_semaphore, #tpu.memory_space<semaphore_mem>>) {add = true}
        %dma_wait3A = arith.constant 2048 : i32
        %dma_wait3A_75 = tpu.memref_slice %arg11[%dma_wait3A] : memref<10256xf32, #tpu.memory_space<vmem>> -> memref<2048xf32, #tpu.memory_space<vmem>>
        %dma_wait3A_76 = arith.constant 2048 : i32
        %dma_wait3A_77 = tpu.memref_slice %arg10[%dma_wait3A_76] : memref<10256xi32, #tpu.memory_space<vmem>> -> memref<2048xi32, #tpu.memory_space<vmem>>
        %dma_wait3A_78 = arith.constant 0 : i32
        %dma_wait3A_79 = tpu.memref_slice %arg12[%dma_wait3A_78] : memref<1572864xf32, #tpu.memory_space<vmem_shared>> -> memref<1572864xf32, #tpu.memory_space<vmem_shared>>
        tpu.wait_indirect_dma semaphore(%run_scoped3A : memref<!tpu.dma_semaphore, #tpu.memory_space<semaphore_mem>>) src(%dma_wait3A_75 : memref<2048xf32, #tpu.memory_space<vmem>>) dst(%dma_wait3A_79 : memref<1572864xf32, #tpu.memory_space<vmem_shared>>)
        tpu.yield
      }) : () -> ()
      "tpu.region"() ({
        %run_scoped3A = tpu.sem_alloc : memref<!tpu.dma_semaphore, #tpu.memory_space<semaphore_mem>>
        %dma_start3A_68 = arith.constant 4096 : i32
        %dma_start3A_69 = tpu.memref_slice %arg11[%dma_start3A_68] : memref<10256xf32, #tpu.memory_space<vmem>> -> memref<2048xf32, #tpu.memory_space<vmem>>
        %dma_start3A_70 = arith.constant 4096 : i32
        %dma_start3A_71 = tpu.memref_slice %arg10[%dma_start3A_70] : memref<10256xi32, #tpu.memory_space<vmem>> -> memref<2048xi32, #tpu.memory_space<vmem>>
        %dma_start3A_72 = arith.constant 0 : i32
        %dma_start3A_73 = tpu.memref_slice %arg12[%dma_start3A_72] : memref<1572864xf32, #tpu.memory_space<vmem_shared>> -> memref<1572864xf32, #tpu.memory_space<vmem_shared>>
        %dma_start3A_74 = arith.constant -1 : i32
        tpu.enqueue_indirect_dma source(%dma_start3A_69 : memref<2048xf32, #tpu.memory_space<vmem>>) target(%dma_start3A_73 : memref<1572864xf32, #tpu.memory_space<vmem_shared>>) offsets(%dma_start3A_71 : memref<2048xi32, #tpu.memory_space<vmem>>) offset_filter(%dma_start3A_74) semaphore(%run_scoped3A : memref<!tpu.dma_semaphore, #tpu.memory_space<semaphore_mem>>) {add = true}
        %dma_wait3A = arith.constant 4096 : i32
        %dma_wait3A_75 = tpu.memref_slice %arg11[%dma_wait3A] : memref<10256xf32, #tpu.memory_space<vmem>> -> memref<2048xf32, #tpu.memory_space<vmem>>
        %dma_wait3A_76 = arith.constant 4096 : i32
        %dma_wait3A_77 = tpu.memref_slice %arg10[%dma_wait3A_76] : memref<10256xi32, #tpu.memory_space<vmem>> -> memref<2048xi32, #tpu.memory_space<vmem>>
        %dma_wait3A_78 = arith.constant 0 : i32
        %dma_wait3A_79 = tpu.memref_slice %arg12[%dma_wait3A_78] : memref<1572864xf32, #tpu.memory_space<vmem_shared>> -> memref<1572864xf32, #tpu.memory_space<vmem_shared>>
        tpu.wait_indirect_dma semaphore(%run_scoped3A : memref<!tpu.dma_semaphore, #tpu.memory_space<semaphore_mem>>) src(%dma_wait3A_75 : memref<2048xf32, #tpu.memory_space<vmem>>) dst(%dma_wait3A_79 : memref<1572864xf32, #tpu.memory_space<vmem_shared>>)
        tpu.yield
      }) : () -> ()
      "tpu.region"() ({
        %run_scoped3A = tpu.sem_alloc : memref<!tpu.dma_semaphore, #tpu.memory_space<semaphore_mem>>
        %dma_start3A_68 = arith.constant 6144 : i32
        %dma_start3A_69 = tpu.memref_slice %arg11[%dma_start3A_68] : memref<10256xf32, #tpu.memory_space<vmem>> -> memref<2048xf32, #tpu.memory_space<vmem>>
        %dma_start3A_70 = arith.constant 6144 : i32
        %dma_start3A_71 = tpu.memref_slice %arg10[%dma_start3A_70] : memref<10256xi32, #tpu.memory_space<vmem>> -> memref<2048xi32, #tpu.memory_space<vmem>>
        %dma_start3A_72 = arith.constant 0 : i32
        %dma_start3A_73 = tpu.memref_slice %arg12[%dma_start3A_72] : memref<1572864xf32, #tpu.memory_space<vmem_shared>> -> memref<1572864xf32, #tpu.memory_space<vmem_shared>>
        %dma_start3A_74 = arith.constant -1 : i32
        tpu.enqueue_indirect_dma source(%dma_start3A_69 : memref<2048xf32, #tpu.memory_space<vmem>>) target(%dma_start3A_73 : memref<1572864xf32, #tpu.memory_space<vmem_shared>>) offsets(%dma_start3A_71 : memref<2048xi32, #tpu.memory_space<vmem>>) offset_filter(%dma_start3A_74) semaphore(%run_scoped3A : memref<!tpu.dma_semaphore, #tpu.memory_space<semaphore_mem>>) {add = true}
        %dma_wait3A = arith.constant 6144 : i32
        %dma_wait3A_75 = tpu.memref_slice %arg11[%dma_wait3A] : memref<10256xf32, #tpu.memory_space<vmem>> -> memref<2048xf32, #tpu.memory_space<vmem>>
        %dma_wait3A_76 = arith.constant 6144 : i32
        %dma_wait3A_77 = tpu.memref_slice %arg10[%dma_wait3A_76] : memref<10256xi32, #tpu.memory_space<vmem>> -> memref<2048xi32, #tpu.memory_space<vmem>>
        %dma_wait3A_78 = arith.constant 0 : i32
        %dma_wait3A_79 = tpu.memref_slice %arg12[%dma_wait3A_78] : memref<1572864xf32, #tpu.memory_space<vmem_shared>> -> memref<1572864xf32, #tpu.memory_space<vmem_shared>>
        tpu.wait_indirect_dma semaphore(%run_scoped3A : memref<!tpu.dma_semaphore, #tpu.memory_space<semaphore_mem>>) src(%dma_wait3A_75 : memref<2048xf32, #tpu.memory_space<vmem>>) dst(%dma_wait3A_79 : memref<1572864xf32, #tpu.memory_space<vmem_shared>>)
        tpu.yield
      }) : () -> ()
      "tpu.region"() ({
        %run_scoped3A = tpu.sem_alloc : memref<!tpu.dma_semaphore, #tpu.memory_space<semaphore_mem>>
        %dma_start3A_68 = arith.constant 8192 : i32
        %dma_start3A_69 = tpu.memref_slice %arg11[%dma_start3A_68] : memref<10256xf32, #tpu.memory_space<vmem>> -> memref<2048xf32, #tpu.memory_space<vmem>>
        %dma_start3A_70 = arith.constant 8192 : i32
        %dma_start3A_71 = tpu.memref_slice %arg10[%dma_start3A_70] : memref<10256xi32, #tpu.memory_space<vmem>> -> memref<2048xi32, #tpu.memory_space<vmem>>
        %dma_start3A_72 = arith.constant 0 : i32
        %dma_start3A_73 = tpu.memref_slice %arg12[%dma_start3A_72] : memref<1572864xf32, #tpu.memory_space<vmem_shared>> -> memref<1572864xf32, #tpu.memory_space<vmem_shared>>
        %dma_start3A_74 = arith.constant -1 : i32
        tpu.enqueue_indirect_dma source(%dma_start3A_69 : memref<2048xf32, #tpu.memory_space<vmem>>) target(%dma_start3A_73 : memref<1572864xf32, #tpu.memory_space<vmem_shared>>) offsets(%dma_start3A_71 : memref<2048xi32, #tpu.memory_space<vmem>>) offset_filter(%dma_start3A_74) semaphore(%run_scoped3A : memref<!tpu.dma_semaphore, #tpu.memory_space<semaphore_mem>>) {add = true}
        %dma_wait3A = arith.constant 8192 : i32
        %dma_wait3A_75 = tpu.memref_slice %arg11[%dma_wait3A] : memref<10256xf32, #tpu.memory_space<vmem>> -> memref<2048xf32, #tpu.memory_space<vmem>>
        %dma_wait3A_76 = arith.constant 8192 : i32
        %dma_wait3A_77 = tpu.memref_slice %arg10[%dma_wait3A_76] : memref<10256xi32, #tpu.memory_space<vmem>> -> memref<2048xi32, #tpu.memory_space<vmem>>
        %dma_wait3A_78 = arith.constant 0 : i32
        %dma_wait3A_79 = tpu.memref_slice %arg12[%dma_wait3A_78] : memref<1572864xf32, #tpu.memory_space<vmem_shared>> -> memref<1572864xf32, #tpu.memory_space<vmem_shared>>
        tpu.wait_indirect_dma semaphore(%run_scoped3A : memref<!tpu.dma_semaphore, #tpu.memory_space<semaphore_mem>>) src(%dma_wait3A_75 : memref<2048xf32, #tpu.memory_space<vmem>>) dst(%dma_wait3A_79 : memref<1572864xf32, #tpu.memory_space<vmem_shared>>)
        tpu.yield
      }) : () -> ()
      %scan3A_56 = arith.constant 0 : i32
      %scan3A_57 = arith.constant 0 : i32
      %scan3A_58 = arith.constant 640 : i32
      %scan3A_59 = arith.addi %scan3A_57, %scan3A_58 : i32
      %scan3A_60 = arith.constant 1 : i32
      scf.for %scan3A_68 = %scan3A_57 to %scan3A_59 step %scan3A_60  : i32 {
        %mul3A_69 = arith.constant 16 : i32
        %mul3A_70 = arith.muli %scan3A_68, %mul3A_69 : i32
        %swap3A = arith.index_cast %mul3A_70 : i32 to index
        %swap3A_71 = tpu.vector_load %arg10[%swap3A] {strides = array<i32>} : memref<10256xi32, #tpu.memory_space<vmem>>, vector<16xi32>,
        tpu.vector_store %arg10[%swap3A], %broadcast_in_dim3A_1 {strides = array<i32>} : memref<10256xi32, #tpu.memory_space<vmem>>, vector<16xi32>,
      }
      %scan3A_61 = arith.constant 640 : i32
      %barrier3A_62 = arith.constant 0 : index
      tpu.barrier barrier_id(%barrier3A_62)
      %mul3A_63 = arith.constant 98304 : i32
      %mul3A_64 = arith.muli %arg1, %mul3A_63 : i32
      %mul3A_65 = arith.constant 98304 : i32
      %mul3A_66 = arith.muli %arg1, %mul3A_65 : i32
      %add3A_67 = arith.addi %mul3A_36, %mul3A_66 : i32
      "tpu.region"() ({
        %run_scoped3A = tpu.sem_alloc : memref<!tpu.dma_semaphore, #tpu.memory_space<semaphore_mem>>
        %dma_start3A_68 = tpu.memref_slice %arg5[%add3A_67] : memref<50331648xf32, #tpu.memory_space<hbm>> -> memref<98304xf32, #tpu.memory_space<hbm>>
        %dma_start3A_69 = tpu.memref_slice %arg12[%mul3A_64] : memref<1572864xf32, #tpu.memory_space<vmem_shared>> -> memref<98304xf32, #tpu.memory_space<vmem_shared>>
        tpu.enqueue_dma source(%dma_start3A_69 : memref<98304xf32, #tpu.memory_space<vmem_shared>>) target(%dma_start3A_68 : memref<98304xf32, #tpu.memory_space<hbm>>) target_semaphore(%run_scoped3A : memref<!tpu.dma_semaphore, #tpu.memory_space<semaphore_mem>>)
        %dma_wait3A = tpu.memref_slice %arg5[%add3A_67] : memref<50331648xf32, #tpu.memory_space<hbm>> -> memref<98304xf32, #tpu.memory_space<hbm>>
        %dma_wait3A_70 = tpu.memref_slice %arg12[%mul3A_64] : memref<1572864xf32, #tpu.memory_space<vmem_shared>> -> memref<98304xf32, #tpu.memory_space<vmem_shared>>
        tpu.wait_dma2 semaphore(%run_scoped3A : memref<!tpu.dma_semaphore, #tpu.memory_space<semaphore_mem>>) src(%dma_wait3A_70 : memref<98304xf32, #tpu.memory_space<vmem_shared>>) dst(%dma_wait3A : memref<98304xf32, #tpu.memory_space<hbm>>)
        tpu.yield
      }) : () -> ()
    }
    %scan3A_30 = arith.constant 16 : i32
    return
  }
}

</mosaic_0001>

<sc_bundles>
// kernel: kernel.3.cloned.1.call-start
scs
__scs_entry_jumppad:
0x0: {  	(pc) =	sbr.rel $0x88, $3  }
0x1: {  	(tag) =	ssettag $0x0;
	lr =	simm.s32 $0x1  }
0x2: {  	[smem:$0x3F9F] =	sst lr;
	_ =	strace $0xD0000000  }
0x3: {  	_ = 	snop  }
0x4: {  	_ = 	snop  }
0x5: {  	_ = 	snop  }
0x6: {  	_ = 	snop  }
0x7: {  	_ = 	snop  }
__scs_overlays_trampoline_lowered:
0x8: {  	[smem:$0x3FAE] =	sst s0  }
0x9: {  	[smem:$0x3FAF] =	sst s1  }
0xa: {  	[smem:$0x3FB0] =	sst s2  }
0xb: {  	[smem:$0x3FB1] =	sst s3  }
0xc: {  	[smem:$0x3FB2] =	sst s4  }
0xd: {  	[smem:$0x3FB3] =	sst s5  }
0xe: {  	[smem:$0x3FB4] =	sst s6  }
0xf: {  	[smem:$0x3FB5] =	sst s7  }
0x10: {  	[smem:$0x3FB6] =	sst s8  }
0x11: {  	[smem:$0x3FB7] =	sst s9;
	s0 =	simm.s32 @!p0 $0x0  }
0x12: {  	s1 =	sld [smem:$0x3F9D];
	s0 =	simm.s32 @p0 $0x1  }
0x13: {  	[smem:$0x3FB8] =	sst s0;
	s0 =	simm.s32 @!p1 $0x0  }
0x14: {  	s2 =	sld [smem:$0x3F9C];
	s0 =	simm.s32 @p1 $0x1  }
0x15: {  	[smem:$0x3FB9] =	sst s0;
	s0 =	simm.s32 @!p2 $0x0  }
0x16: {  	s3 =	sld [smem:$0x3FDB];
	s0 =	simm.s32 @p2 $0x1  }
0x17: {  	s4 =	simm.s32 $0x1BF5;
	[smem:$0x3FBB] =	sst s0  }
0x18: {  	s0 =	sld [smem:$0x3F9E];
	_ =	swait.ge [sflag:s4], $0x0  }
0x19: {  	s7 =	sld [smem:$0x3F9F]  }
0x1a: {  	s8 =	sadd.s32 $0xFFFFE003, lr  }
0x1b: {  	s9 =	sadd.s32 $0xFFFFFEF7, lr;
	s5 =	simm.s32 $0xFFFFFFFF;
	p2 =	slt.u32 s8, $0xFFFFF086  }
0x1c: {  	p1 =	slt.u32 s9, $0xF7A;
	s5 =	simm.s32 @!p2 $0x0  }
0x1d: {  	s5 =	simm.s32 @p1 $0x1;
	p0 =	seq.s32 s7, s2  }
0x1e: {  	s7 =	smul.u32 @!p0 $0xF7A, s2;
	p2 =	seq.s32 @!p0 s5, $0x0  }
0x1f: {  	s9 =	smul.u32 $0xF7A, s1;
	s8 =	simm.s32 @!p0 $0x1BF5;
	p2 =	por !p2, p0  }
0x20: {  	[sflag:s8] =	ssyncset.s32 @!p0 $0xFFFFF086;
	s6 =	sadd.s32 @!p0 s3, s7;
	s7 =	simm.s32 @!p0 $0x108  }
0x21: {  	s3 =	sadd.s32 s3, s9;
	s6 =	sadd.s32 @!p0 $0x88, s6;
	s7 =	simm.s32 @p2 $0x1082  }
0x22: {  	[simem:s7], [sflag:s8] =	dma.local @!p0 [hbm:s6], $0xF7A  }
0x23: {  	s9 =	sor.u32 $0xD0000000, s2;
	s6 =	simm.s32 $0x108;
	_ =	swait.ge @!p0 [sflag:s8], $0x0  }
0x24: {  	s3 =	sadd.s32 $0x88, s3;
	s6 =	simm.s32 @!p1 $0x1082;
	[sflag:s4] =	ssyncset.s32 $0xFFFFF086  }
0x25: {  	[simem:s6], [sflag:s4] =	dma.local [hbm:s3], $0xF7A  }
0x26: {  	[smem:$0x3F9F] =	sst s1;
	(tag) =	ssettag s2;
	_ =	strace s9  }
0x27: {  	s1 =	sld [smem:$0x3FAF]  }
0x28: {  	s2 =	sld [smem:$0x3FB0]  }
0x29: {  	s4 =	sld [smem:$0x3FB2]  }
0x2a: {  	p0 =	seq.s32 s5, $0x0;
	s5 =	sld [smem:$0x3FB3]  }
0x2b: {  	s6 =	sld [smem:$0x3FB4]  }
0x2c: {  	s7 =	sld [smem:$0x3FB5]  }
0x2d: {  	s3 =	simm.s32 $0x108;
	s8 =	sld [smem:$0x3FB6]  }
0x2e: {  	s3 =	simm.s32 @!p0 $0x1082;
	s9 =	sld [smem:$0x3FB7]  }
0x2f: {  	lr =	sadd.s32 s0, s3;
	s0 =	sld [smem:$0x3FAE]  }
0x30: {  	s3 =	sld [smem:$0x3FB1]  }
0x31: {  	[smem:$0x3FBA] =	sst s10  }
0x32: {  	s10 =	sld [smem:$0x3FB8];
	_ =	sdelay $0x3  }
0x33: {  	p0 =	seq.s32 s10, $0x1;
	s10 =	sld [smem:$0x3FBA];
	_ =	sdelay $0x3  }
0x34: {  	[smem:$0x3FBA] =	sst s10  }
0x35: {  	s10 =	sld [smem:$0x3FB9];
	_ =	sdelay $0x3  }
0x36: {  	p1 =	seq.s32 s10, $0x1;
	s10 =	sld [smem:$0x3FBA];
	_ =	sdelay $0x3  }
0x37: {  	[smem:$0x3FBA] =	sst s10  }
0x38: {  	s10 =	sld [smem:$0x3FBB]  }
0x39: {  	_ = 	snop;
	(pc) =	sbr.ind lr, $3  }
0x3a: {  	_ = 	snop  }
0x3b: {  	_ = 	snop  }
0x3c: {  	p2 =	seq.s32 s10, $0x1;
	s10 =	sld [smem:$0x3FBA]  }
0x3d: {  	_ =	shalt  }
0x3e: {  	_ =	shalt  }
0x3f: {  	_ =	shalt  }
0x40: {  	_ =	shalt  }
0x41: {  	_ =	shalt  }
0x42: {  	_ =	shalt  }
0x43: {  	_ =	shalt  }
0x44: {  	_ =	shalt  }
0x45: {  	_ =	shalt  }
0x46: {  	_ =	shalt  }
0x47: {  	_ =	shalt  }
0x48: {  	_ =	shalt  }
0x49: {  	_ =	shalt  }
0x4a: {  	_ =	shalt  }
0x4b: {  	_ =	shalt  }
0x4c: {  	_ =	shalt  }
0x4d: {  	_ =	shalt  }
0x4e: {  	_ =	shalt  }
0x4f: {  	_ =	shalt  }
0x50: {  	_ =	shalt  }
0x51: {  	_ =	shalt  }
0x52: {  	_ =	shalt  }
0x53: {  	_ =	shalt  }
0x54: {  	_ =	shalt  }
0x55: {  	_ =	shalt  }
0x56: {  	_ =	shalt  }
0x57: {  	_ =	shalt  }
0x58: {  	_ =	shalt  }
0x59: {  	_ =	shalt  }
0x5a: {  	_ =	shalt  }
0x5b: {  	_ =	shalt  }
0x5c: {  	_ =	shalt  }
0x5d: {  	_ =	shalt  }
0x5e: {  	_ =	shalt  }
0x5f: {  	_ =	shalt  }
0x60: {  	_ =	shalt  }
0x61: {  	_ =	shalt  }
0x62: {  	_ =	shalt  }
0x63: {  	_ =	shalt  }
0x64: {  	_ =	shalt  }
0x65: {  	_ =	shalt  }
0x66: {  	_ =	shalt  }
0x67: {  	_ =	shalt  }
0x68: {  	_ =	shalt  }
0x69: {  	_ =	shalt  }
0x6a: {  	_ =	shalt  }
0x6b: {  	_ =	shalt  }
0x6c: {  	_ =	shalt  }
0x6d: {  	_ =	shalt  }
0x6e: {  	_ =	shalt  }
0x6f: {  	_ =	shalt  }
0x70: {  	_ =	shalt  }
0x71: {  	_ =	shalt  }
0x72: {  	_ =	shalt  }
0x73: {  	_ =	shalt  }
0x74: {  	_ =	shalt  }
0x75: {  	_ =	shalt  }
0x76: {  	_ =	shalt  }
0x77: {  	_ =	shalt  }
0x78: {  	_ =	shalt  }
0x79: {  	_ =	shalt  }
0x7a: {  	_ =	shalt  }
0x7b: {  	_ =	shalt  }
0x7c: {  	_ =	shalt  }
0x7d: {  	_ =	shalt  }
0x7e: {  	_ =	shalt  }
0x7f: {  	_ =	shalt  }
0x80: {  	_ =	shalt  }
0x81: {  	_ =	shalt  }
0x82: {  	_ =	shalt  }
0x83: {  	_ =	shalt  }
0x84: {  	_ =	shalt  }
0x85: {  	_ =	shalt  }
0x86: {  	_ =	shalt  }
0x87: {  	_ =	shalt  }
.Lfunc_end0:
.L_simem_size_0:
called_computation.1_lowered:
.L_overlay_start_0:
0x88: {  	s2 =	sld [smem:$0x3FD9]  }
0x89: {  	s3 =	sld [smem:$0x3FFE];
	_ =	sdelay $0x1  }
0x8a: {  	s1 =	srdreg.scid  }
0x8b: {  	s0 =	sand.u32 $0x1, s1  }
0x8c: {  	s17 =	sshll.u32 s0, $0xA;
	s2 =	sadd.s32 s3, s2  }
0x8d: {  	s2 =	sadd.s32 s2, s17  }
0x8e: {  	[smem:$0x3FC6] =	sst s2  }
0x8f: {  	_ = 	snop  }
0x90: {  	s2 =	sld [smem:$0x3FD0];
	(tm) =	ssettm $0x1  }
0x91: {  	s18 =	sld [smem:$0x3FFB];
	_ =	sdelay $0x3  }
0x92: {  	_ =	strace s18  }
0x93: {  	s3 =	sld [smem:$0x3FFC];
	_ =	sdelay $0x3  }
0x94: {  	_ =	strace s3  }
0x95: {  	s3 =	sld [smem:$0x3FFD];
	_ =	sdelay $0x3  }
0x96: {  	_ =	strace s3  }
0x97: {  	_ =	strace $0x8FFFFFFF  }
0x98: {  	s19 =	sld [smem:$0x3FDB];
	_ =	sdelay $0x1  }
0x99: {  	s4 =	simm.s32 $_scs_section_size  }
0x9a: {  	s5 =	simm.s32 $_size__tile_overlayer_lowered;
	s6 =	simm.s32 $_tile_overlayer_lowered  }
0x9b: {  	s22 =	simm.s32 $0x1BFF;
	s21 =	sshll.u32 s6, $0x1;
	s3 =	sadd.s32 s4, s19  }
0x9c: {  	s7 =	simm.s32 $0x0;
	s20 =	sshll.u32 s5, $0x1;
	s5 =	sadd.s32 s21, s3  }
0x9d: {  	[timem:s7], [sflag:s22] =	dma.local [hbm:s5], s20  }
0x9e: {  	_ =	swait.ge [sflag:s22], s20  }
0x9f: {  	s4 =	ssub.s32 $0x0, s20;
	[sflag:s22] =	ssyncset.done $0x0  }
0xa0: {  	[sflag:s22] =	ssyncadd.s32 s4;
	_ =	sdelay $0x1  }
0xa1: {  	s23 =	simm.s32 $0x1B8B  }
0xa2: {  	_ =	swait.ge [sflag:s23], $0x1  }
0xa3: {  	[sflag:s23] =	ssyncset.done $0x0  }
0xa4: {  	s25 =	simm.s32 $0x1B8E;
	s24 =	sld [smem:$0x3FFE];
	[sflag:s23] =	ssyncadd.s32 $0xFFFFFFFF  }
0xa5: {  	s26 =	simm.s32 $execute0_lowered;
	[smem:$0x3FD2] =	sst s25  }
0xa6: {  	s5 =	sshll.u32 s26, $0x1;
	_ =	strace $0x80000046;
	[dreg:$0x1] =	wrdreg $0xFFFFFFFF  }
0xa7: {  	s28 =	simm.s32 $_size_execute0_lowered;
	s3 =	sadd.s32 s3, s5;
	[dreg:$0x0] =	wrdreg $0x0  }
0xa8: {  	s5 =	sshll.u32 s28, $0x1;
	[dreg:$0x2] =	wrdreg s3  }
0xa9: {  	[dreg:$0x3] =	wrdreg s5  }
0xaa: {  	[dreg:$0x4] =	wrdreg $0xC0  }
0xab: {  	_ =	task [dreg:s7], $0x5FFFF  }
0xac: {  	[dreg:$0x1] =	wrdreg $0xFFFFFFFF  }
0xad: {  	[dreg:$0x0] =	wrdreg $0x60  }
0xae: {  	[dreg:$0x2] =	wrdreg s24  }
0xaf: {  	[dreg:$0x3] =	wrdreg s2  }
0xb0: {  	[dreg:$0x4] =	wrdreg $0x71000  }
0xb1: {  	[dreg:$0x5] =	wrdreg $0x9  }
0xb2: {  	_ =	task.clear_ibuf [dreg:s7], $0x6FFFF;
	_ =	strace $0x90000046  }
0xb3: {  	s29 =	simm.s32 $0x9;
	_ =	strace $0x80000048  }
0xb4: {  	_ =	swait.ge [sflag:s29], $0x1  }
0xb5: {  	[sflag:s29] =	ssyncadd.s32 $0xFFFFFFFF  }
0xb6: {  	_ =	strace $0x90000048  }
0xb7: {  	_ =	sfence  }
0xb8: {  	s30 =	sld [smem:$0x0];
	_ =	sdelay $0x2  }
0xb9: {  	s31 =	sshll.u32 s1, $0xD;
	s1 =	sshrl.u32 s1, $0x2  }
0xba: {  	s3 =	sand.u32 $0x4000, s31;
	s1 =	sadd.s32 s1, s30  }
0xbb: {  	s0 =	sor.u32 s3, s0;
	s1 =	sshll.u32 s1, $0x11  }
0xbc: {  	s0 =	sor.u32 s1, s0  }
0xbd: {  	s0 =	sadd.s32 $0x8F2B, s0  }
0xbe: {  	[sflag:s0] =	ssyncadd.remote.s32 $0x1  }
0xbf: {  	_ =	sfence.sel $0xFFFF  }
0xc0: {  	[dreg:$0x0] =	wrdreg $0xFFFFFFFF;
	(pc) =	sbr.abs _section_cstart, $3  }
0xc1: {  	[dreg:$0x1] =	wrdreg $0xFFFFFFFF  }
0xc2: {  	_ =	task.clear_ibuf [dreg:s7], $0x2FFFF;
	_ =	strace $0x9FFFFFFF  }
0xc3: {  	(tm) =	ssettm $0x7FFFFFFF  }
tec
execute0_lowered:
.L_overlay_start_1:
0x0: {  	(tag) =	ssettag $0x1  }
0x1: {  	s0 =	rddreg [dreg:$0x0]  }
0x2: {  	s2 =	rddreg [dreg:$0x2]  }
0x3: {  	s8 =	simm.s32 $0x0;
	s1 =	srdreg.scid;
	s4 =	stileid.u32  }
0x4: {  	s19 =	simm.s32 $0x3;
	s21 =	simm.s32 $0x800;
	s28 =	simm.s32 $0x5080  }
0x5: {  	s29 =	simm.s32 $0x3000;
	s30 =	simm.s32 $0x5880;
	s31 =	simm.s32 $0x3800  }
0x6: {  	s17 =	simm.s32 $0x6880;
	[smem:$0x7FF] =	sst s8;
	s5 =	sadd.s32 $0x800, s0  }
0x7: {  	s1 =	sand.u32 $0x1, s1;
	s7 =	sadd.s32 $0x180800, s0;
	s3 =	smul.u32 $0xC0000, s4  }
0x8: {  	s0 =	sadd.s32 $0x300800, s0;
	s6 =	smul.u32 $0x18000, s4;
	s23 =	sshll.u32 s4, $0x6  }
0x9: {  	_ =	strace $0x80000047;
	[dreg:$0x5] =	wrdreg s1;
	s1 =	ssub.s32 $0x2, s1  }
0xa: {  	[dreg:$0x6] =	wrdreg s0;
	s10 =	sor.u32 $0x1C03, s23;
	s23 =	simm.s32 $0x1  }
0xb: {  	s22 =	sshrl.u32 s1, $0x1;
	s24 =	sshrl.u32 s3, $0x3;
	s13 =	smov.u32 s6  }
0xc: {  	s6 =	sadd.s32 s6, s2;
	s15 =	sor.u32 $0x1000, s3;
	s16 =	sor.u32 $0x1800, s3  }
0xd: {  	s3 =	simm.s32 $0x2;
	s0 =	ssub.s32 s1, s22;
	s9 =	sadd.s32 s7, s24  }
0xe: {  	s25 =	sor.u32 $0x100, s24;
	s4 =	sadd.s32 s5, s24;
	[dreg:$0x7] =	wrdreg s9  }
0xf: {  	s18 =	sshrl.u32 s6, $0x3;
	s24 =	simm.s32 $0x2000;
	[dreg:$0x8] =	wrdreg s4  }
0x10: {  	v0 =	vlaneseq.u32;
	s26 =	sadd.s32 s7, s25;
	s14 =	sadd.s32 s5, s25;
	s0 =	smax.u32 s0, $0x1  }
0x11: {  	v1 =	vimm.s32 $0xFFFFFFFF;
	v3 =	vimm.s32 $0x0;
	v2 =	vor.u32 $0x2800, v0;
	s25 =	simm.s32 $0x4880;
	s4 =	simm.s32 $0x4000;
	[dreg:$0x9] =	wrdreg s26  }
0x12: {  	v4 =	vor.u32 $0xA00, v0;
	v5 =	vor.u32 $0x1400, v0;
	v6 =	vor.u32 $0x1E00, v0;
	[dreg:$0xa] =	wrdreg s0;
	s26 =	simm.s32 $0x2800;
	s0 =	simm.s32 $0x6080  }
.LBB2_1:
0x13: {  	[dreg:$0x4] =	wrdreg s8;
	s1 =	simm.s32 $0x40;
	s6 =	simm.s32 $0x0  }
.LBB2_2:
0x14: {  	p0 =	sne.s32 s1, $0x9FC0;
	[tilespmem:s6+$0x2000] =	vst v1;
	s6 =	smov.u32 s1;
	s1 =	sadd.s32 $0x40, s1  }
.Ltmp0:
0x15: {  	(pc) =	sbr.rel @p0 .LBB2_2-.Ltmp0, $2  }
0x16: {  	_ =	sdelay $0x2  }
0x17: {  	s6 =	sshra.s32 s6, $0x2  }
0x18: {  	[tilespmem:s6+$0x2000] =	vst v1;
	s1 =	simm.s32 $0x0;
	s20 =	simm.s32 $0x0  }
.LBB2_4:
0x19: {  	s6 =	rddreg [dreg:$0x6]  }
0x1a: {  	[spmem:s18], [sflag:s10] =	dma.local [hbm:s6], $0x3000  }
0x1b: {  	_ =	swait.ge [sflag:s19], $0x3000  }
0x1c: {  	[sflag:s19] =	ssyncset.done $0x0  }
0x1d: {  	[sflag:s19] =	ssyncadd.s32 $0xFFFFD000  }
0x1e: {  	[bflag:$0x0] =	sbarrier.arrive $0xFFFF  }
0x1f: {  	s12 =	rddreg [dreg:$0x7]  }
0x20: {  	[tilespmem:s1], [sflag:$0x1] =	stream.linear.gather [hbm4b:s12+s1], $0x800, $0x38;
	[tilespmem:$0x1F100] =	vst v63  }
0x21: {  	s9 =	simm.s32 $0x1000;
	s8 =	rddreg [dreg:$0x8]  }
0x22: {  	[tilespmem:s9], [sflag:$0x1] =	stream.linear.gather [hbm4b:s8+s1], $0x800, $0x38;
	[tilespmem:$0x1F100] =	vst v63  }
0x23: {  	s22 =	sshll.u32 s20, $0x1;
	s9 =	rddreg [dreg:$0x5]  }
.Ltmp1:
0x24: {  	s11 =	rddreg [dreg:$0x9];
	s6 =	sor.u32 s9, s22;
	(pc) =	sbr.rel .LBB2_5-.Ltmp1, $4  }
0x25: {  	[tilespmem:s21], [sflag:$0x2] =	stream.linear.gather [hbm4b:s11+s1], $0x800, $0x38;
	[tilespmem:$0x1F100] =	vst v63  }
0x26: {  	s22 =	smul.u32 $0x180000, s6  }
0x27: {  	v8 =	vimm.s32 $0x0;
	v9 =	vimm.s32 $0x0;
	s12 =	simm.s32 $0x1800;
	s6 =	simm.s32 $0x0  }
0x28: {  	v10 =	vimm.s32 $0x0;
	v11 =	vimm.s32 $0x0;
	[tilespmem:s12], [sflag:$0x2] =	stream.linear.gather [hbm4b:s14+s1], $0x800, $0x38;
	v7 =	vmov s22;
	[tilespmem:$0x1F100] =	vst v63  }
.LBB2_17:
0x29: {  	s6 =	sadd.s32 $0x1, s6  }
0x2a: {  	p0 =	sne.s32 s6, $0xC0  }
.Ltmp2:
0x2b: {  	_ = 	snop;
	(pc) =	sbr.rel @!p0 .LBB2_18-.Ltmp2, $1  }
0x2c: {  	_ =	sdelay $0x3  }
.LBB2_5:
0x2d: {  	_ =	swait.ge [sflag:s23], $0x800  }
0x2e: {  	[sflag:s23] =	ssyncset.done $0x0  }
0x2f: {  	[sflag:s23] =	ssyncadd.s32 $0xFFFFF800  }
0x30: {  	_ =	swait.ge [sflag:s23], $0x800  }
0x31: {  	[sflag:s23] =	ssyncset.done $0x0  }
0x32: {  	s8 =	simm.s32 $0x0;
	[sflag:s23] =	ssyncadd.s32 $0xFFFFF800  }
.LBB2_6:
0x33: {  	s9 =	sshra.s32 s8, $0x2  }
0x34: {  	v12 =	vld [tilespmem:s9+$0x0];
	_ =	sdelay $0x4  }
0x35: {  	v12 =	vsub.s32 v12, v7  }
0x36: {  	v13 =	vadd.s32 v0, v11;
	vm1 =	vlt.u32 v12, $0x180000  }
0x37: {  	v13 =	vsel vm1, v13, v2  }
0x38: {  	v14 =	vld [tilespmem:s9+$0x1000];
	_ =	sdelay $0x3  }
0x39: {  	[tilespmem:v13+s24+$0x0] =	vst.idx.msk $0xffff, v12  }
0x3a: {  	[tilespmem:v13+s25+$0x0] =	vst.idx.msk $0xffff, v14  }
0x3b: {  	v12 =	vld [tilespmem:s9+$0x10];
	_ =	sdelay $0x4  }
0x3c: {  	v12 =	vsub.s32 v12, v7  }
0x3d: {  	v48 =	vadd.s32 v4, v10;
	vm2 =	vlt.u32 v12, $0x180000  }
0x3e: {  	v13 =	vsel vm2, v48, v2  }
0x3f: {  	v14 =	vld [tilespmem:s9+$0x1010];
	_ =	sdelay $0x3  }
0x40: {  	[tilespmem:v13+s24+$0x0] =	vst.idx.msk $0xffff, v12  }
0x41: {  	[tilespmem:v13+s25+$0x0] =	vst.idx.msk $0xffff, v14  }
0x42: {  	v12 =	vld [tilespmem:s9+$0x20];
	_ =	sdelay $0x4  }
0x43: {  	v12 =	vsub.s32 v12, v7  }
0x44: {  	v49 =	vadd.s32 v5, v9;
	vm3 =	vlt.u32 v12, $0x180000  }
0x45: {  	v13 =	vsel vm3, v49, v2  }
0x46: {  	v14 =	vld [tilespmem:s9+$0x1020];
	_ =	sdelay $0x3  }
0x47: {  	[tilespmem:v13+s24+$0x0] =	vst.idx.msk $0xffff, v12  }
0x48: {  	[tilespmem:v13+s25+$0x0] =	vst.idx.msk $0xffff, v14  }
0x49: {  	v12 =	vld [tilespmem:s9+$0x30];
	_ =	sdelay $0x4  }
0x4a: {  	v12 =	vsub.s32 v12, v7  }
0x4b: {  	v50 =	vadd.s32 v6, v8;
	vm0 =	vlt.u32 v12, $0x180000  }
0x4c: {  	v13 =	vsel vm0, v50, v2  }
0x4d: {  	v14 =	vld [tilespmem:s9+$0x1030];
	_ =	sdelay $0x3  }
0x4e: {  	[tilespmem:v13+s24+$0x0] =	vst.idx.msk $0xffff, v12  }
0x4f: {  	[tilespmem:v13+s25+$0x0] =	vst.idx.msk $0xffff, v14  }
0x50: {  	v12 =	vld [tilespmem:s9+$0x40];
	_ =	sdelay $0x3  }
0x51: {  	v51 =	vsel vm1, $0x10, v3  }
0x52: {  	v11 =	vadd.s32 v11, v51;
	v12 =	vsub.s32 v12, v7  }
0x53: {  	v13 =	vadd.s32 v0, v11;
	vm14 =	vlt.u32 v12, $0x180000  }
0x54: {  	v13 =	vsel vm14, v13, v2  }
0x55: {  	v14 =	vld [tilespmem:s9+$0x1040];
	_ =	sdelay $0x3  }
0x56: {  	[tilespmem:v13+s24+$0x0] =	vst.idx.msk $0xffff, v12  }
0x57: {  	[tilespmem:v13+s25+$0x0] =	vst.idx.msk $0xffff, v14  }
0x58: {  	v12 =	vld [tilespmem:s9+$0x50];
	_ =	sdelay $0x3  }
0x59: {  	v52 =	vsel vm2, $0x10, v3  }
0x5a: {  	v10 =	vadd.s32 v10, v52;
	v12 =	vsub.s32 v12, v7  }
0x5b: {  	v13 =	vadd.s32 v4, v10;
	vm15 =	vlt.u32 v12, $0x180000  }
0x5c: {  	v13 =	vsel vm15, v13, v2  }
0x5d: {  	v14 =	vld [tilespmem:s9+$0x1050];
	_ =	sdelay $0x3  }
0x5e: {  	[tilespmem:v13+s24+$0x0] =	vst.idx.msk $0xffff, v12  }
0x5f: {  	[tilespmem:v13+s25+$0x0] =	vst.idx.msk $0xffff, v14  }
0x60: {  	v12 =	vld [tilespmem:s9+$0x60];
	_ =	sdelay $0x3  }
0x61: {  	v53 =	vsel vm3, $0x10, v3  }
0x62: {  	v9 =	vadd.s32 v9, v53;
	v12 =	vsub.s32 v12, v7  }
0x63: {  	v13 =	vadd.s32 v5, v9;
	vm6 =	vlt.u32 v12, $0x180000  }
0x64: {  	v13 =	vsel vm6, v13, v2  }
0x65: {  	v14 =	vld [tilespmem:s9+$0x1060];
	_ =	sdelay $0x3  }
0x66: {  	[tilespmem:v13+s24+$0x0] =	vst.idx.msk $0xffff, v12  }
0x67: {  	[tilespmem:v13+s25+$0x0] =	vst.idx.msk $0xffff, v14  }
0x68: {  	v12 =	vld [tilespmem:s9+$0x70];
	_ =	sdelay $0x3  }
0x69: {  	v54 =	vsel vm0, $0x10, v3  }
0x6a: {  	v8 =	vadd.s32 v8, v54;
	v12 =	vsub.s32 v12, v7  }
0x6b: {  	v13 =	vadd.s32 v6, v8;
	vm7 =	vlt.u32 v12, $0x180000  }
0x6c: {  	v13 =	vsel vm7, v13, v2  }
0x6d: {  	v14 =	vld [tilespmem:s9+$0x1070];
	_ =	sdelay $0x3  }
0x6e: {  	[tilespmem:v13+s24+$0x0] =	vst.idx.msk $0xffff, v12  }
0x6f: {  	[tilespmem:v13+s25+$0x0] =	vst.idx.msk $0xffff, v14  }
0x70: {  	v12 =	vld [tilespmem:s9+$0x80];
	_ =	sdelay $0x3  }
0x71: {  	v55 =	vsel vm14, $0x10, v3  }
0x72: {  	v11 =	vadd.s32 v11, v55;
	v12 =	vsub.s32 v12, v7  }
0x73: {  	v13 =	vadd.s32 v0, v11;
	vm8 =	vlt.u32 v12, $0x180000  }
0x74: {  	v13 =	vsel vm8, v13, v2  }
0x75: {  	v14 =	vld [tilespmem:s9+$0x1080];
	_ =	sdelay $0x3  }
0x76: {  	[tilespmem:v13+s24+$0x0] =	vst.idx.msk $0xffff, v12  }
0x77: {  	[tilespmem:v13+s25+$0x0] =	vst.idx.msk $0xffff, v14  }
0x78: {  	v12 =	vld [tilespmem:s9+$0x90];
	_ =	sdelay $0x3  }
0x79: {  	v56 =	vsel vm15, $0x10, v3  }
0x7a: {  	v10 =	vadd.s32 v10, v56;
	v12 =	vsub.s32 v12, v7  }
0x7b: {  	v13 =	vadd.s32 v4, v10;
	vm9 =	vlt.u32 v12, $0x180000  }
0x7c: {  	v13 =	vsel vm9, v13, v2  }
0x7d: {  	v14 =	vld [tilespmem:s9+$0x1090];
	_ =	sdelay $0x3  }
0x7e: {  	[tilespmem:v13+s24+$0x0] =	vst.idx.msk $0xffff, v12  }
0x7f: {  	[tilespmem:v13+s25+$0x0] =	vst.idx.msk $0xffff, v14  }
0x80: {  	v12 =	vld [tilespmem:s9+$0xA0];
	_ =	sdelay $0x3  }
0x81: {  	v57 =	vsel vm6, $0x10, v3  }
0x82: {  	v9 =	vadd.s32 v9, v57;
	v12 =	vsub.s32 v12, v7  }
0x83: {  	v13 =	vadd.s32 v5, v9;
	vm10 =	vlt.u32 v12, $0x180000  }
0x84: {  	v13 =	vsel vm10, v13, v2  }
0x85: {  	v14 =	vld [tilespmem:s9+$0x10A0];
	_ =	sdelay $0x3  }
0x86: {  	[tilespmem:v13+s24+$0x0] =	vst.idx.msk $0xffff, v12  }
0x87: {  	[tilespmem:v13+s25+$0x0] =	vst.idx.msk $0xffff, v14  }
0x88: {  	v12 =	vld [tilespmem:s9+$0xB0];
	_ =	sdelay $0x3  }
0x89: {  	v58 =	vsel vm7, $0x10, v3  }
0x8a: {  	v8 =	vadd.s32 v8, v58;
	v12 =	vsub.s32 v12, v7  }
0x8b: {  	v13 =	vadd.s32 v6, v8;
	vm11 =	vlt.u32 v12, $0x180000  }
0x8c: {  	v13 =	vsel vm11, v13, v2  }
0x8d: {  	v14 =	vld [tilespmem:s9+$0x10B0];
	_ =	sdelay $0x3  }
0x8e: {  	[tilespmem:v13+s24+$0x0] =	vst.idx.msk $0xffff, v12  }
0x8f: {  	[tilespmem:v13+s25+$0x0] =	vst.idx.msk $0xffff, v14  }
0x90: {  	v12 =	vld [tilespmem:s9+$0xC0];
	_ =	sdelay $0x3  }
0x91: {  	v59 =	vsel vm8, $0x10, v3  }
0x92: {  	v11 =	vadd.s32 v11, v59;
	v12 =	vsub.s32 v12, v7  }
0x93: {  	v13 =	vadd.s32 v0, v11;
	vm12 =	vlt.u32 v12, $0x180000  }
0x94: {  	v13 =	vsel vm12, v13, v2  }
0x95: {  	v14 =	vld [tilespmem:s9+$0x10C0];
	_ =	sdelay $0x3  }
0x96: {  	[tilespmem:v13+s24+$0x0] =	vst.idx.msk $0xffff, v12  }
0x97: {  	[tilespmem:v13+s25+$0x0] =	vst.idx.msk $0xffff, v14  }
0x98: {  	v12 =	vld [tilespmem:s9+$0xD0];
	_ =	sdelay $0x3  }
0x99: {  	v60 =	vsel vm9, $0x10, v3  }
0x9a: {  	v10 =	vadd.s32 v10, v60;
	v12 =	vsub.s32 v12, v7  }
0x9b: {  	v13 =	vadd.s32 v4, v10;
	vm13 =	vlt.u32 v12, $0x180000  }
0x9c: {  	v13 =	vsel vm13, v13, v2  }
0x9d: {  	v14 =	vld [tilespmem:s9+$0x10D0];
	_ =	sdelay $0x3  }
0x9e: {  	[tilespmem:v13+s24+$0x0] =	vst.idx.msk $0xffff, v12  }
0x9f: {  	[tilespmem:v13+s25+$0x0] =	vst.idx.msk $0xffff, v14  }
0xa0: {  	v12 =	vld [tilespmem:s9+$0xE0];
	_ =	sdelay $0x3  }
0xa1: {  	v61 =	vsel vm10, $0x10, v3  }
0xa2: {  	v9 =	vadd.s32 v9, v61;
	v12 =	vsub.s32 v12, v7  }
0xa3: {  	v13 =	vadd.s32 v5, v9;
	vm14 =	vlt.u32 v12, $0x180000  }
0xa4: {  	v13 =	vsel vm14, v13, v2  }
0xa5: {  	v14 =	vld [tilespmem:s9+$0x10E0];
	_ =	sdelay $0x3  }
0xa6: {  	[tilespmem:v13+s24+$0x0] =	vst.idx.msk $0xffff, v12  }
0xa7: {  	[tilespmem:v13+s25+$0x0] =	vst.idx.msk $0xffff, v14  }
0xa8: {  	v12 =	vld [tilespmem:s9+$0xF0];
	_ =	sdelay $0x3  }
0xa9: {  	v62 =	vsel vm11, $0x10, v3  }
0xaa: {  	v8 =	vadd.s32 v8, v62;
	v12 =	vsub.s32 v12, v7  }
0xab: {  	v13 =	vadd.s32 v6, v8;
	vm15 =	vlt.u32 v12, $0x180000  }
0xac: {  	v13 =	vsel vm15, v13, v2  }
0xad: {  	p0 =	sne.s32 s8, $0x1C00;
	v14 =	vld [tilespmem:s9+$0x10F0]  }
.Ltmp3:
0xae: {  	_ = 	snop;
	(pc) =	sbr.rel @p0 .LBB2_6-.Ltmp3, $4  }
0xaf: {  	v15 =	vsel vm12, $0x10, v3  }
0xb0: {  	v11 =	vadd.s32 v11, v15;
	v16 =	vsel vm13, $0x10, v3  }
0xb1: {  	v10 =	vadd.s32 v10, v16;
	v17 =	vsel vm14, $0x10, v3;
	v63 =	vsel vm15, $0x10, v3;
	[tilespmem:v13+s24+$0x0] =	vst.idx.msk $0xffff, v12  }
0xb2: {  	s8 =	sadd.s32 $0x400, s8;
	v9 =	vadd.s32 v9, v17;
	v8 =	vadd.s32 v8, v63;
	[tilespmem:v13+s25+$0x0] =	vst.idx.msk $0xffff, v14  }
0xb3: {  	vm0 =	vgt.s32 v11, v10;
	vm1 =	vgt.s32 v9, v8  }
0xb4: {  	v12 =	vsel vm0, v11, v10;
	v13 =	vsel vm1, v9, v8  }
0xb5: {  	vm0 =	vgt.s32 v12, v13  }
0xb6: {  	v12 =	vsel vm0, v12, v13  }
0xb7: {  	v12 =	vxor.u32 $0x80000000, v12  }
0xb8: {  	(xrf0) =	vmax.scan.msk.u32 $0xffff, v12;
	_ =	sdelay $0x5  }
0xb9: {  	v12, _, _ =	vpop (xrf0)  }
0xba: {  	(v2sf) =	vpush v12, $0xF;
	_ =	sdelay $0x7  }
0xbb: {  	s8 =	sshll.u32 s6, $0xC;
	p0 =	seq.s32 s6, $0xBF  }
0xbc: {  	s9 =	sadd.s32 @!p0 s8, s15  }
0xbd: {  	s9 =	sshrl.u32 @!p0 s9, $0x3  }
0xbe: {  	s12 =	simm.s32 @!p0 $0x0;
	s11 =	sadd.s32 @!p0 s7, s9  }
0xbf: {  	[tilespmem:s12], [sflag:$0x1] =	stream.linear.gather @!p0 [hbm4b:s11+s12], $0x800, $0x38;
	[tilespmem:$0x1F100] =	vst v63  }
0xc0: {  	s9 =	sadd.s32 @!p0 s5, s9;
	s11 =	simm.s32 @!p0 $0x1000  }
0xc1: {  	[tilespmem:s11], [sflag:$0x1] =	stream.linear.gather @!p0 [hbm4b:s9+s12], $0x800, $0x38;
	[tilespmem:$0x1F100] =	vst v63  }
0xc2: {  	s12 =	spop (v2sf)  }
0xc3: {  	p1 =	slt.u32 s12, $0x80000800  }
.Ltmp4:
0xc4: {  	_ = 	snop;
	(pc) =	sbr.rel @p1 .LBB2_11-.Ltmp4, $1  }
0xc5: {  	_ =	sdelay $0x3  }
0xc6: {  	(ifvalue) =	ssetifvalue $0xFFFFFFFF  }
0xc7: {  	[spmem:s2] =	stream.indirect.scatter.add.f32 [tilespmem:s25], [sflag:$0x3], $0x1, s24, s21, $0x40b8;
	[tilespmem:$0x1F100] =	vst v63  }
0xc8: {  	_ =	swait.ge [sflag:s19], $0x800  }
0xc9: {  	[sflag:s19] =	ssyncset.done $0x0  }
0xca: {  	[sflag:s19] =	ssyncadd.s32 $0xFFFFF800;
	(ifvalue) =	ssetifvalue $0xFFFFFFFF  }
0xcb: {  	[spmem:s2] =	stream.indirect.scatter.add.f32 [tilespmem:s28], [sflag:$0x3], $0x1, s26, s21, $0x40b8;
	[tilespmem:$0x1F100] =	vst v63  }
0xcc: {  	_ =	swait.ge [sflag:s19], $0x800  }
0xcd: {  	[sflag:s19] =	ssyncset.done $0x0  }
0xce: {  	[sflag:s19] =	ssyncadd.s32 $0xFFFFF800;
	(ifvalue) =	ssetifvalue $0xFFFFFFFF  }
0xcf: {  	[spmem:s2] =	stream.indirect.scatter.add.f32 [tilespmem:s30], [sflag:$0x3], $0x1, s29, s21, $0x40b8;
	[tilespmem:$0x1F100] =	vst v63  }
0xd0: {  	_ =	swait.ge [sflag:s19], $0x800  }
0xd1: {  	[sflag:s19] =	ssyncset.done $0x0  }
0xd2: {  	[sflag:s19] =	ssyncadd.s32 $0xFFFFF800;
	(ifvalue) =	ssetifvalue $0xFFFFFFFF  }
0xd3: {  	[spmem:s2] =	stream.indirect.scatter.add.f32 [tilespmem:s0], [sflag:$0x3], $0x1, s31, s21, $0x40b8;
	[tilespmem:$0x1F100] =	vst v63  }
0xd4: {  	_ =	swait.ge [sflag:s19], $0x800  }
0xd5: {  	[sflag:s19] =	ssyncset.done $0x0  }
0xd6: {  	[sflag:s19] =	ssyncadd.s32 $0xFFFFF800;
	(ifvalue) =	ssetifvalue $0xFFFFFFFF  }
0xd7: {  	[spmem:s2] =	stream.indirect.scatter.add.f32 [tilespmem:s17], [sflag:$0x3], $0x1, s4, s21, $0x40b8;
	[tilespmem:$0x1F100] =	vst v63  }
0xd8: {  	_ =	swait.ge [sflag:s19], $0x800  }
0xd9: {  	[sflag:s19] =	ssyncset.done $0x0  }
0xda: {  	s9 =	simm.s32 $0x0;
	[sflag:s19] =	ssyncadd.s32 $0xFFFFF800  }
.LBB2_9:
0xdb: {  	p1 =	sne.s32 s9, $0x9FC0  }
.Ltmp5:
0xdc: {  	_ = 	snop;
	(pc) =	sbr.rel @p1 .LBB2_9-.Ltmp5, $3  }
0xdd: {  	_ =	sdelay $0x1  }
0xde: {  	s11 =	sshra.s32 s9, $0x2  }
0xdf: {  	s9 =	sadd.s32 $0x40, s9;
	[tilespmem:s11+$0x2000] =	vst v1  }
0xe0: {  	v8 =	vimm.s32 $0x0  }
0xe1: {  	v9 =	vimm.s32 $0x0;
	v10 =	vimm.s32 $0x0;
	v11 =	vimm.s32 $0x0  }
.LBB2_11:
0xe2: {  	_ =	swait.ge [sflag:s3], $0x800  }
0xe3: {  	[sflag:s3] =	ssyncset.done $0x0  }
0xe4: {  	[sflag:s3] =	ssyncadd.s32 $0xFFFFF800  }
0xe5: {  	_ =	swait.ge [sflag:s3], $0x800  }
0xe6: {  	[sflag:s3] =	ssyncset.done $0x0  }
0xe7: {  	s9 =	simm.s32 $0x0;
	[sflag:s3] =	ssyncadd.s32 $0xFFFFF800  }
.LBB2_12:
0xe8: {  	s11 =	sshra.s32 s9, $0x2  }
0xe9: {  	v12 =	vld [tilespmem:s11+$0x800];
	_ =	sdelay $0x4  }
0xea: {  	v12 =	vsub.s32 v12, v7  }
0xeb: {  	v13 =	vadd.s32 v0, v11;
	vm1 =	vlt.u32 v12, $0x180000  }
0xec: {  	v13 =	vsel vm1, v13, v2  }
0xed: {  	v14 =	vld [tilespmem:s11+$0x1800];
	_ =	sdelay $0x3  }
0xee: {  	[tilespmem:v13+s24+$0x0] =	vst.idx.msk $0xffff, v12  }
0xef: {  	[tilespmem:v13+s25+$0x0] =	vst.idx.msk $0xffff, v14  }
0xf0: {  	v12 =	vld [tilespmem:s11+$0x810];
	_ =	sdelay $0x4  }
0xf1: {  	v12 =	vsub.s32 v12, v7  }
0xf2: {  	v48 =	vadd.s32 v4, v10;
	vm2 =	vlt.u32 v12, $0x180000  }
0xf3: {  	v13 =	vsel vm2, v48, v2  }
0xf4: {  	v14 =	vld [tilespmem:s11+$0x1810];
	_ =	sdelay $0x3  }
0xf5: {  	[tilespmem:v13+s24+$0x0] =	vst.idx.msk $0xffff, v12  }
0xf6: {  	[tilespmem:v13+s25+$0x0] =	vst.idx.msk $0xffff, v14  }
0xf7: {  	v12 =	vld [tilespmem:s11+$0x820];
	_ =	sdelay $0x4  }
0xf8: {  	v12 =	vsub.s32 v12, v7  }
0xf9: {  	v49 =	vadd.s32 v5, v9;
	vm3 =	vlt.u32 v12, $0x180000  }
0xfa: {  	v13 =	vsel vm3, v49, v2  }
0xfb: {  	v14 =	vld [tilespmem:s11+$0x1820];
	_ =	sdelay $0x3  }
0xfc: {  	[tilespmem:v13+s24+$0x0] =	vst.idx.msk $0xffff, v12  }
0xfd: {  	[tilespmem:v13+s25+$0x0] =	vst.idx.msk $0xffff, v14  }
0xfe: {  	v12 =	vld [tilespmem:s11+$0x830];
	_ =	sdelay $0x4  }
0xff: {  	v12 =	vsub.s32 v12, v7  }
0x100: {  	v50 =	vadd.s32 v6, v8;
	vm0 =	vlt.u32 v12, $0x180000  }
0x101: {  	v13 =	vsel vm0, v50, v2  }
0x102: {  	v14 =	vld [tilespmem:s11+$0x1830];
	_ =	sdelay $0x3  }
0x103: {  	[tilespmem:v13+s24+$0x0] =	vst.idx.msk $0xffff, v12  }
0x104: {  	[tilespmem:v13+s25+$0x0] =	vst.idx.msk $0xffff, v14  }
0x105: {  	v12 =	vld [tilespmem:s11+$0x840];
	_ =	sdelay $0x3  }
0x106: {  	v51 =	vsel vm1, $0x10, v3  }
0x107: {  	v11 =	vadd.s32 v11, v51;
	v12 =	vsub.s32 v12, v7  }
0x108: {  	v13 =	vadd.s32 v0, v11;
	vm14 =	vlt.u32 v12, $0x180000  }
0x109: {  	v13 =	vsel vm14, v13, v2  }
0x10a: {  	v14 =	vld [tilespmem:s11+$0x1840];
	_ =	sdelay $0x3  }
0x10b: {  	[tilespmem:v13+s24+$0x0] =	vst.idx.msk $0xffff, v12  }
0x10c: {  	[tilespmem:v13+s25+$0x0] =	vst.idx.msk $0xffff, v14  }
0x10d: {  	v12 =	vld [tilespmem:s11+$0x850];
	_ =	sdelay $0x3  }
0x10e: {  	v52 =	vsel vm2, $0x10, v3  }
0x10f: {  	v10 =	vadd.s32 v10, v52;
	v12 =	vsub.s32 v12, v7  }
0x110: {  	v13 =	vadd.s32 v4, v10;
	vm15 =	vlt.u32 v12, $0x180000  }
0x111: {  	v13 =	vsel vm15, v13, v2  }
0x112: {  	v14 =	vld [tilespmem:s11+$0x1850];
	_ =	sdelay $0x3  }
0x113: {  	[tilespmem:v13+s24+$0x0] =	vst.idx.msk $0xffff, v12  }
0x114: {  	[tilespmem:v13+s25+$0x0] =	vst.idx.msk $0xffff, v14  }
0x115: {  	v12 =	vld [tilespmem:s11+$0x860];
	_ =	sdelay $0x3  }
0x116: {  	v53 =	vsel vm3, $0x10, v3  }
0x117: {  	v9 =	vadd.s32 v9, v53;
	v12 =	vsub.s32 v12, v7  }
0x118: {  	v13 =	vadd.s32 v5, v9;
	vm6 =	vlt.u32 v12, $0x180000  }
0x119: {  	v13 =	vsel vm6, v13, v2  }
0x11a: {  	v14 =	vld [tilespmem:s11+$0x1860];
	_ =	sdelay $0x3  }
0x11b: {  	[tilespmem:v13+s24+$0x0] =	vst.idx.msk $0xffff, v12  }
0x11c: {  	[tilespmem:v13+s25+$0x0] =	vst.idx.msk $0xffff, v14  }
0x11d: {  	v12 =	vld [tilespmem:s11+$0x870];
	_ =	sdelay $0x3  }
0x11e: {  	v54 =	vsel vm0, $0x10, v3  }
0x11f: {  	v8 =	vadd.s32 v8, v54;
	v12 =	vsub.s32 v12, v7  }
0x120: {  	v13 =	vadd.s32 v6, v8;
	vm7 =	vlt.u32 v12, $0x180000  }
0x121: {  	v13 =	vsel vm7, v13, v2  }
0x122: {  	v14 =	vld [tilespmem:s11+$0x1870];
	_ =	sdelay $0x3  }
0x123: {  	[tilespmem:v13+s24+$0x0] =	vst.idx.msk $0xffff, v12  }
0x124: {  	[tilespmem:v13+s25+$0x0] =	vst.idx.msk $0xffff, v14  }
0x125: {  	v12 =	vld [tilespmem:s11+$0x880];
	_ =	sdelay $0x3  }
0x126: {  	v55 =	vsel vm14, $0x10, v3  }
0x127: {  	v11 =	vadd.s32 v11, v55;
	v12 =	vsub.s32 v12, v7  }
0x128: {  	v13 =	vadd.s32 v0, v11;
	vm8 =	vlt.u32 v12, $0x180000  }
0x129: {  	v13 =	vsel vm8, v13, v2  }
0x12a: {  	v14 =	vld [tilespmem:s11+$0x1880];
	_ =	sdelay $0x3  }
0x12b: {  	[tilespmem:v13+s24+$0x0] =	vst.idx.msk $0xffff, v12  }
0x12c: {  	[tilespmem:v13+s25+$0x0] =	vst.idx.msk $0xffff, v14  }
0x12d: {  	v12 =	vld [tilespmem:s11+$0x890];
	_ =	sdelay $0x3  }
0x12e: {  	v56 =	vsel vm15, $0x10, v3  }
0x12f: {  	v10 =	vadd.s32 v10, v56;
	v12 =	vsub.s32 v12, v7  }
0x130: {  	v13 =	vadd.s32 v4, v10;
	vm9 =	vlt.u32 v12, $0x180000  }
0x131: {  	v13 =	vsel vm9, v13, v2  }
0x132: {  	v14 =	vld [tilespmem:s11+$0x1890];
	_ =	sdelay $0x3  }
0x133: {  	[tilespmem:v13+s24+$0x0] =	vst.idx.msk $0xffff, v12  }
0x134: {  	[tilespmem:v13+s25+$0x0] =	vst.idx.msk $0xffff, v14  }
0x135: {  	v12 =	vld [tilespmem:s11+$0x8A0];
	_ =	sdelay $0x3  }
0x136: {  	v57 =	vsel vm6, $0x10, v3  }
0x137: {  	v9 =	vadd.s32 v9, v57;
	v12 =	vsub.s32 v12, v7  }
0x138: {  	v13 =	vadd.s32 v5, v9;
	vm10 =	vlt.u32 v12, $0x180000  }
0x139: {  	v13 =	vsel vm10, v13, v2  }
0x13a: {  	v14 =	vld [tilespmem:s11+$0x18A0];
	_ =	sdelay $0x3  }
0x13b: {  	[tilespmem:v13+s24+$0x0] =	vst.idx.msk $0xffff, v12  }
0x13c: {  	[tilespmem:v13+s25+$0x0] =	vst.idx.msk $0xffff, v14  }
0x13d: {  	v12 =	vld [tilespmem:s11+$0x8B0];
	_ =	sdelay $0x3  }
0x13e: {  	v58 =	vsel vm7, $0x10, v3  }
0x13f: {  	v8 =	vadd.s32 v8, v58;
	v12 =	vsub.s32 v12, v7  }
0x140: {  	v13 =	vadd.s32 v6, v8;
	vm11 =	vlt.u32 v12, $0x180000  }
0x141: {  	v13 =	vsel vm11, v13, v2  }
0x142: {  	v14 =	vld [tilespmem:s11+$0x18B0];
	_ =	sdelay $0x3  }
0x143: {  	[tilespmem:v13+s24+$0x0] =	vst.idx.msk $0xffff, v12  }
0x144: {  	[tilespmem:v13+s25+$0x0] =	vst.idx.msk $0xffff, v14  }
0x145: {  	v12 =	vld [tilespmem:s11+$0x8C0];
	_ =	sdelay $0x3  }
0x146: {  	v59 =	vsel vm8, $0x10, v3  }
0x147: {  	v11 =	vadd.s32 v11, v59;
	v12 =	vsub.s32 v12, v7  }
0x148: {  	v13 =	vadd.s32 v0, v11;
	vm12 =	vlt.u32 v12, $0x180000  }
0x149: {  	v13 =	vsel vm12, v13, v2  }
0x14a: {  	v14 =	vld [tilespmem:s11+$0x18C0];
	_ =	sdelay $0x3  }
0x14b: {  	[tilespmem:v13+s24+$0x0] =	vst.idx.msk $0xffff, v12  }
0x14c: {  	[tilespmem:v13+s25+$0x0] =	vst.idx.msk $0xffff, v14  }
0x14d: {  	v12 =	vld [tilespmem:s11+$0x8D0];
	_ =	sdelay $0x3  }
0x14e: {  	v60 =	vsel vm9, $0x10, v3  }
0x14f: {  	v10 =	vadd.s32 v10, v60;
	v12 =	vsub.s32 v12, v7  }
0x150: {  	v13 =	vadd.s32 v4, v10;
	vm13 =	vlt.u32 v12, $0x180000  }
0x151: {  	v13 =	vsel vm13, v13, v2  }
0x152: {  	v14 =	vld [tilespmem:s11+$0x18D0];
	_ =	sdelay $0x3  }
0x153: {  	[tilespmem:v13+s24+$0x0] =	vst.idx.msk $0xffff, v12  }
0x154: {  	[tilespmem:v13+s25+$0x0] =	vst.idx.msk $0xffff, v14  }
0x155: {  	v12 =	vld [tilespmem:s11+$0x8E0];
	_ =	sdelay $0x3  }
0x156: {  	v61 =	vsel vm10, $0x10, v3  }
0x157: {  	v9 =	vadd.s32 v9, v61;
	v12 =	vsub.s32 v12, v7  }
0x158: {  	v13 =	vadd.s32 v5, v9;
	vm14 =	vlt.u32 v12, $0x180000  }
0x159: {  	v13 =	vsel vm14, v13, v2  }
0x15a: {  	v14 =	vld [tilespmem:s11+$0x18E0];
	_ =	sdelay $0x3  }
0x15b: {  	[tilespmem:v13+s24+$0x0] =	vst.idx.msk $0xffff, v12  }
0x15c: {  	[tilespmem:v13+s25+$0x0] =	vst.idx.msk $0xffff, v14  }
0x15d: {  	v12 =	vld [tilespmem:s11+$0x8F0];
	_ =	sdelay $0x3  }
0x15e: {  	v62 =	vsel vm11, $0x10, v3  }
0x15f: {  	v8 =	vadd.s32 v8, v62;
	v12 =	vsub.s32 v12, v7  }
0x160: {  	v13 =	vadd.s32 v6, v8;
	vm15 =	vlt.u32 v12, $0x180000  }
0x161: {  	v13 =	vsel vm15, v13, v2  }
0x162: {  	p1 =	sne.s32 s9, $0x1C00;
	v14 =	vld [tilespmem:s11+$0x18F0]  }
.Ltmp6:
0x163: {  	_ = 	snop;
	(pc) =	sbr.rel @p1 .LBB2_12-.Ltmp6, $4  }
0x164: {  	v15 =	vsel vm12, $0x10, v3  }
0x165: {  	v11 =	vadd.s32 v11, v15;
	v16 =	vsel vm13, $0x10, v3  }
0x166: {  	v10 =	vadd.s32 v10, v16;
	v17 =	vsel vm14, $0x10, v3;
	v63 =	vsel vm15, $0x10, v3;
	[tilespmem:v13+s24+$0x0] =	vst.idx.msk $0xffff, v12  }
0x167: {  	s9 =	sadd.s32 $0x400, s9;
	v9 =	vadd.s32 v9, v17;
	v8 =	vadd.s32 v8, v63;
	[tilespmem:v13+s25+$0x0] =	vst.idx.msk $0xffff, v14  }
0x168: {  	vm0 =	vgt.s32 v11, v10;
	vm1 =	vgt.s32 v9, v8  }
0x169: {  	v12 =	vsel vm0, v11, v10;
	v13 =	vsel vm1, v9, v8  }
0x16a: {  	vm0 =	vgt.s32 v12, v13  }
0x16b: {  	v12 =	vsel vm0, v12, v13  }
0x16c: {  	v12 =	vxor.u32 $0x80000000, v12  }
0x16d: {  	(xrf0) =	vmax.scan.msk.u32 $0xffff, v12;
	_ =	sdelay $0x5  }
0x16e: {  	v12, _, _ =	vpop (xrf0)  }
0x16f: {  	(v2sf) =	vpush v12, $0xF;
	_ =	sdelay $0x8  }
0x170: {  	s8 =	sadd.s32 @!p0 s8, s16  }
0x171: {  	s8 =	sshrl.u32 @!p0 s8, $0x3  }
0x172: {  	s11 =	simm.s32 @!p0 $0x0;
	s12 =	simm.s32 @!p0 $0x800;
	s9 =	sadd.s32 @!p0 s7, s8  }
0x173: {  	[tilespmem:s12], [sflag:$0x2] =	stream.linear.gather @!p0 [hbm4b:s9+s11], $0x800, $0x38;
	[tilespmem:$0x1F100] =	vst v63  }
0x174: {  	s8 =	sadd.s32 @!p0 s5, s8;
	s9 =	simm.s32 @!p0 $0x1800  }
0x175: {  	[tilespmem:s9], [sflag:$0x2] =	stream.linear.gather @!p0 [hbm4b:s8+s11], $0x800, $0x38;
	[tilespmem:$0x1F100] =	vst v63  }
0x176: {  	s12 =	spop (v2sf)  }
0x177: {  	p0 =	slt.u32 s12, $0x80000800  }
.Ltmp7:
0x178: {  	_ = 	snop;
	(pc) =	sbr.rel @p0 .LBB2_17-.Ltmp7, $1  }
0x179: {  	_ =	sdelay $0x3  }
0x17a: {  	(ifvalue) =	ssetifvalue $0xFFFFFFFF  }
0x17b: {  	[spmem:s2] =	stream.indirect.scatter.add.f32 [tilespmem:s25], [sflag:$0x3], $0x1, s24, s21, $0x40b8;
	[tilespmem:$0x1F100] =	vst v63  }
0x17c: {  	_ =	swait.ge [sflag:s19], $0x800  }
0x17d: {  	[sflag:s19] =	ssyncset.done $0x0  }
0x17e: {  	[sflag:s19] =	ssyncadd.s32 $0xFFFFF800;
	(ifvalue) =	ssetifvalue $0xFFFFFFFF  }
0x17f: {  	[spmem:s2] =	stream.indirect.scatter.add.f32 [tilespmem:s28], [sflag:$0x3], $0x1, s26, s21, $0x40b8;
	[tilespmem:$0x1F100] =	vst v63  }
0x180: {  	_ =	swait.ge [sflag:s19], $0x800  }
0x181: {  	[sflag:s19] =	ssyncset.done $0x0  }
0x182: {  	[sflag:s19] =	ssyncadd.s32 $0xFFFFF800;
	(ifvalue) =	ssetifvalue $0xFFFFFFFF  }
0x183: {  	[spmem:s2] =	stream.indirect.scatter.add.f32 [tilespmem:s30], [sflag:$0x3], $0x1, s29, s21, $0x40b8;
	[tilespmem:$0x1F100] =	vst v63  }
0x184: {  	_ =	swait.ge [sflag:s19], $0x800  }
0x185: {  	[sflag:s19] =	ssyncset.done $0x0  }
0x186: {  	[sflag:s19] =	ssyncadd.s32 $0xFFFFF800;
	(ifvalue) =	ssetifvalue $0xFFFFFFFF  }
0x187: {  	[spmem:s2] =	stream.indirect.scatter.add.f32 [tilespmem:s0], [sflag:$0x3], $0x1, s31, s21, $0x40b8;
	[tilespmem:$0x1F100] =	vst v63  }
0x188: {  	_ =	swait.ge [sflag:s19], $0x800  }
0x189: {  	[sflag:s19] =	ssyncset.done $0x0  }
0x18a: {  	[sflag:s19] =	ssyncadd.s32 $0xFFFFF800;
	(ifvalue) =	ssetifvalue $0xFFFFFFFF  }
0x18b: {  	[spmem:s2] =	stream.indirect.scatter.add.f32 [tilespmem:s17], [sflag:$0x3], $0x1, s4, s21, $0x40b8;
	[tilespmem:$0x1F100] =	vst v63  }
0x18c: {  	_ =	swait.ge [sflag:s19], $0x800  }
0x18d: {  	[sflag:s19] =	ssyncset.done $0x0  }
0x18e: {  	s8 =	simm.s32 $0x0;
	[sflag:s19] =	ssyncadd.s32 $0xFFFFF800  }
.LBB2_15:
0x18f: {  	p0 =	sne.s32 s8, $0x9FC0  }
.Ltmp8:
0x190: {  	_ = 	snop;
	(pc) =	sbr.rel @p0 .LBB2_15-.Ltmp8, $3  }
0x191: {  	_ =	sdelay $0x1  }
0x192: {  	s9 =	sshra.s32 s8, $0x2  }
0x193: {  	s8 =	sadd.s32 $0x40, s8;
	[tilespmem:s9+$0x2000] =	vst v1  }
.Ltmp9:
0x194: {  	(pc) =	sbr.rel .LBB2_17-.Ltmp9, $3  }
0x195: {  	_ =	sdelay $0x1  }
0x196: {  	v8 =	vimm.s32 $0x0  }
0x197: {  	v9 =	vimm.s32 $0x0;
	v10 =	vimm.s32 $0x0;
	v11 =	vimm.s32 $0x0  }
.LBB2_18:
0x198: {  	(ifvalue) =	ssetifvalue $0xFFFFFFFF  }
0x199: {  	[spmem:s2] =	stream.indirect.scatter.add.f32 [tilespmem:s25], [sflag:$0x3], $0x1, s24, s21, $0x40b8;
	[tilespmem:$0x1F100] =	vst v63  }
0x19a: {  	_ =	swait.ge [sflag:s19], $0x800  }
0x19b: {  	[sflag:s19] =	ssyncset.done $0x0  }
0x19c: {  	[sflag:s19] =	ssyncadd.s32 $0xFFFFF800;
	(ifvalue) =	ssetifvalue $0xFFFFFFFF  }
0x19d: {  	[spmem:s2] =	stream.indirect.scatter.add.f32 [tilespmem:s28], [sflag:$0x3], $0x1, s26, s21, $0x40b8;
	[tilespmem:$0x1F100] =	vst v63  }
0x19e: {  	_ =	swait.ge [sflag:s19], $0x800  }
0x19f: {  	[sflag:s19] =	ssyncset.done $0x0  }
0x1a0: {  	[sflag:s19] =	ssyncadd.s32 $0xFFFFF800;
	(ifvalue) =	ssetifvalue $0xFFFFFFFF  }
0x1a1: {  	[spmem:s2] =	stream.indirect.scatter.add.f32 [tilespmem:s30], [sflag:$0x3], $0x1, s29, s21, $0x40b8;
	[tilespmem:$0x1F100] =	vst v63  }
0x1a2: {  	_ =	swait.ge [sflag:s19], $0x800  }
0x1a3: {  	[sflag:s19] =	ssyncset.done $0x0  }
0x1a4: {  	[sflag:s19] =	ssyncadd.s32 $0xFFFFF800;
	(ifvalue) =	ssetifvalue $0xFFFFFFFF  }
0x1a5: {  	[spmem:s2] =	stream.indirect.scatter.add.f32 [tilespmem:s0], [sflag:$0x3], $0x1, s31, s21, $0x40b8;
	[tilespmem:$0x1F100] =	vst v63  }
0x1a6: {  	_ =	swait.ge [sflag:s19], $0x800  }
0x1a7: {  	[sflag:s19] =	ssyncset.done $0x0  }
0x1a8: {  	[sflag:s19] =	ssyncadd.s32 $0xFFFFF800;
	(ifvalue) =	ssetifvalue $0xFFFFFFFF  }
0x1a9: {  	[spmem:s2] =	stream.indirect.scatter.add.f32 [tilespmem:s17], [sflag:$0x3], $0x1, s4, s21, $0x40b8;
	[tilespmem:$0x1F100] =	vst v63  }
0x1aa: {  	_ =	swait.ge [sflag:s19], $0x800  }
0x1ab: {  	[sflag:s19] =	ssyncset.done $0x0  }
0x1ac: {  	s6 =	simm.s32 $0x40;
	s8 =	simm.s32 $0x0;
	[sflag:s19] =	ssyncadd.s32 $0xFFFFF800  }
.LBB2_19:
0x1ad: {  	p0 =	sne.s32 s6, $0x9FC0;
	[tilespmem:s8+$0x2000] =	vst v1;
	s8 =	smov.u32 s6;
	s6 =	sadd.s32 $0x40, s6  }
.Ltmp10:
0x1ae: {  	(pc) =	sbr.rel @p0 .LBB2_19-.Ltmp10, $2  }
0x1af: {  	_ =	sdelay $0x2  }
0x1b0: {  	s8 =	sshra.s32 s8, $0x2  }
0x1b1: {  	[tilespmem:s8+$0x2000] =	vst v1  }
0x1b2: {  	s6 =	sadd.s32 s13, s22;
	s20 =	sadd.s32 $0x1, s20;
	[bflag:$0x0] =	sbarrier.arrive $0xFFFF  }
0x1b3: {  	s6 =	sshrl.u32 s6, $0x3;
	p0 =	sne.s32 s20, $0x10;
	s22 =	rddreg [dreg:$0x1]  }
.Ltmp11:
0x1b4: {  	s6 =	sadd.s32 s22, s6;
	(pc) =	sbr.rel @p0 .LBB2_4-.Ltmp11, $4  }
0x1b5: {  	[hbm:s6], [sflag:s10] =	dma.local [spmem:s18], $0x3000  }
0x1b6: {  	_ =	swait.ge [sflag:s19], $0x3000  }
0x1b7: {  	[sflag:s19] =	ssyncset.done $0x0  }
0x1b8: {  	[sflag:s19] =	ssyncadd.s32 $0xFFFFD000  }
0x1b9: {  	s8 =	rddreg [dreg:$0x4]  }
0x1ba: {  	s1 =	rddreg [dreg:$0xa];
	s8 =	sadd.s32 $0x1, s8  }
0x1bb: {  	p0 =	sne.s32 s8, s1  }
.Ltmp12:
0x1bc: {  	_ = 	snop;
	(pc) =	sbr.rel @p0 .LBB2_1-.Ltmp12, $1  }
0x1bd: {  	_ =	sdelay $0x3  }
0x1be: {  	_ =	sfence.sel $0x180000  }
0x1bf: {  	[bflag:$0x0] =	sbarrier.arrive $0xFFFF  }
0x1c0: {  	_ =	strace $0x90000047  }
0x1c1: {  	s0 =	stileid.u32;
	[bflag:$0x2] =	sbarrier.arrive $0xFFFF  }
0x1c2: {  	p0 =	sne.s32 s0, $0x0;
	s0 =	rddreg [dreg:$0x3]  }
0x1c3: {  	s0 =	sadd.s32 @!p0 $0x100000, s0  }
0x1c4: {  	[sflag:s0] =	ssyncadd.tile.s32 @!p0 $0x1;
	_ =	shalt  }
.Lfunc_end2:
_tile_overlayer_lowered:
.L_overlay_start_2:
0x1c5: {  	(tag) =	ssettag $0x2  }
0x1c6: {  	s0 =	rddreg [dreg:$0x0];
	s2 =	stileid.u32  }
0x1c7: {  	s1 =	rddreg [dreg:$0x1];
	p0 =	sne.s32 s2, $0x0  }
0x1c8: {  	s3 =	rddreg [dreg:$0x2];
	[bflag:$0x3] =	sbarrier.arrive $0xFFFF;
	s2 =	simm.s32 @!p0 $0x1C03  }
0x1c9: {  	[timem:s3], [sflag:s2] =	dma.local @!p0 [hbm:s0], s1  }
0x1ca: {  	s0 =	simm.s32 @!p0 $0x3  }
0x1cb: {  	_ =	swait.ge @!p0 [sflag:s0], s1  }
0x1cc: {  	s1 =	ssub.s32 @!p0 $0x0, s1;
	[sflag:s0] =	ssyncset.done @!p0 $0x0  }
0x1cd: {  	[sflag:s0] =	ssyncadd.s32 @!p0 s1  }
0x1ce: {  	[bflag:$0x3] =	sbarrier.arrive $0xFFFF  }
0x1cf: {  	_ =	shalt  }

// kernel: sparse-core-data-format-call.cloned.1.call-start
scs
called_computation_lowered:
.L_overlay_start_0:
0x0: {  	s2 =	sld [smem:$0x3FD9]  }
0x1: {  	s3 =	sld [smem:$0x3FFE];
	_ =	sdelay $0x1  }
0x2: {  	s1 =	srdreg.scid  }
0x3: {  	s0 =	sand.u32 $0x1, s1  }
0x4: {  	s18 =	sshll.u32 s0, $0xA;
	s2 =	sadd.s32 s3, s2  }
0x5: {  	s2 =	sadd.s32 s2, s18  }
0x6: {  	[smem:$0x3FC6] =	sst s2  }
0x7: {  	_ = 	snop  }
0x8: {  	s2 =	sld [smem:$0x3FD0];
	(tm) =	ssettm $0x1  }
0x9: {  	s19 =	sld [smem:$0x3FFB];
	_ =	sdelay $0x3  }
0xa: {  	_ =	strace s19  }
0xb: {  	s3 =	sld [smem:$0x3FFC];
	_ =	sdelay $0x3  }
0xc: {  	_ =	strace s3  }
0xd: {  	s3 =	sld [smem:$0x3FFD];
	_ =	sdelay $0x3  }
0xe: {  	_ =	strace s3  }
0xf: {  	_ =	strace $0x8FFFFFFF  }
0x10: {  	s20 =	sld [smem:$0x3FDB];
	_ =	sdelay $0x1  }
0x11: {  	s4 =	simm.s32 $_scs_section_size  }
0x12: {  	s5 =	simm.s32 $_size__tile_overlayer_lowered;
	s6 =	simm.s32 $_tile_overlayer_lowered  }
0x13: {  	s23 =	simm.s32 $0x1BFF;
	s22 =	sshll.u32 s6, $0x1;
	s3 =	sadd.s32 s4, s20  }
0x14: {  	s7 =	simm.s32 $0x0;
	s21 =	sshll.u32 s5, $0x1;
	s5 =	sadd.s32 s22, s3  }
0x15: {  	[timem:s7], [sflag:s23] =	dma.local [hbm:s5], s21  }
0x16: {  	_ =	swait.ge [sflag:s23], s21  }
0x17: {  	s4 =	ssub.s32 $0x0, s21;
	[sflag:s23] =	ssyncset.done $0x0  }
0x18: {  	[sflag:s23] =	ssyncadd.s32 s4;
	_ =	sdelay $0x1  }
0x19: {  	s24 =	simm.s32 $0x1B8B  }
0x1a: {  	_ =	swait.ge [sflag:s24], $0x1  }
0x1b: {  	[sflag:s24] =	ssyncset.done $0x0  }
0x1c: {  	s26 =	simm.s32 $0x1B8E;
	s25 =	sld [smem:$0x3FFE];
	[sflag:s24] =	ssyncadd.s32 $0xFFFFFFFF  }
0x1d: {  	s27 =	simm.s32 $execute0_lowered;
	[smem:$0x3FD2] =	sst s26  }
0x1e: {  	s5 =	sshll.u32 s27, $0x1;
	_ =	strace $0x80000049;
	[dreg:$0x1] =	wrdreg $0xFFFFFFFF  }
0x1f: {  	s28 =	simm.s32 $_size_execute0_lowered;
	s3 =	sadd.s32 s3, s5;
	[dreg:$0x0] =	wrdreg $0x0  }
0x20: {  	s5 =	sshll.u32 s28, $0x1;
	[dreg:$0x2] =	wrdreg s3  }
0x21: {  	[dreg:$0x3] =	wrdreg s5  }
0x22: {  	[dreg:$0x4] =	wrdreg $0xC0  }
0x23: {  	_ =	task [dreg:s7], $0x5FFFF  }
0x24: {  	[dreg:$0x1] =	wrdreg $0xFFFFFFFF  }
0x25: {  	[dreg:$0x0] =	wrdreg $0x60  }
0x26: {  	[dreg:$0x2] =	wrdreg s25  }
0x27: {  	[dreg:$0x3] =	wrdreg s2  }
0x28: {  	[dreg:$0x4] =	wrdreg $0x9  }
0x29: {  	_ =	task.clear_ibuf [dreg:s7], $0x5FFFF;
	_ =	strace $0x90000049  }
0x2a: {  	s29 =	simm.s32 $0x9;
	_ =	strace $0x8000004B  }
0x2b: {  	_ =	swait.ge [sflag:s29], $0x1  }
0x2c: {  	[sflag:s29] =	ssyncadd.s32 $0xFFFFFFFF  }
0x2d: {  	_ =	strace $0x9000004B  }
0x2e: {  	_ =	sfence  }
0x2f: {  	s30 =	sld [smem:$0x0];
	_ =	sdelay $0x2  }
0x30: {  	s31 =	sshll.u32 s1, $0xD;
	s1 =	sshrl.u32 s1, $0x2  }
0x31: {  	s3 =	sand.u32 $0x4000, s31;
	s1 =	sadd.s32 s1, s30  }
0x32: {  	s0 =	sor.u32 s3, s0;
	s1 =	sshll.u32 s1, $0x11  }
0x33: {  	s0 =	sor.u32 s1, s0  }
0x34: {  	s0 =	sadd.s32 $0x8F2B, s0  }
0x35: {  	[sflag:s0] =	ssyncadd.remote.s32 $0x1  }
0x36: {  	_ =	sfence.sel $0xFFFF  }
0x37: {  	[dreg:$0x0] =	wrdreg $0xFFFFFFFF;
	(pc) =	sbr.abs _section_cstart, $3  }
0x38: {  	[dreg:$0x1] =	wrdreg $0xFFFFFFFF  }
0x39: {  	_ =	task.clear_ibuf [dreg:s7], $0x2FFFF;
	_ =	strace $0x9FFFFFFF  }
0x3a: {  	(tm) =	ssettm $0x7FFFFFFF  }
0x3b: {  	_ =	shalt  }
tec
execute0_lowered:
.L_overlay_start_1:
0x0: {  	(tag) =	ssettag $0x1  }
0x1: {  	s4 =	rddreg [dreg:$0x0]  }
0x2: {  	s2 =	rddreg [dreg:$0x1]  }
0x3: {  	s0 =	rddreg [dreg:$0x2]  }
0x4: {  	s1 =	stileid.u32;
	s3 =	srdreg.scid  }
0x5: {  	_ =	strace $0x8000004A;
	s31 =	simm.s32 $0x2;
	s17 =	simm.s32 $0x0  }
0x6: {  	p0 =	por $0x0, $0x0;
	s9 =	simm.s32 $0x1000;
	s18 =	simm.s32 $0x0  }
0x7: {  	s19 =	simm.s32 $0x0;
	s10 =	simm.s32 $0x0;
	s11 =	simm.s32 $0x0  }
0x8: {  	s12 =	simm.s32 $0x0;
	s13 =	simm.s32 $0x0;
	s16 =	simm.s32 $0x0  }
0x9: {  	s5 =	sshll.u32 s3, $0x4;
	s3 =	sand.u32 $0x1, s1;
	s4 =	sadd.s32 $0x800, s4  }
.Ltmp0:
0xa: {  	s5 =	sand.u32 $0x10, s5;
	s6 =	ssub.s32 $0x2, s3;
	(pc) =	sbr.rel .LBB1_1-.Ltmp0, $4  }
0xb: {  	s15 =	smov.u32 s3;
	s7 =	sshrl.u32 s6, $0x1;
	s8 =	sand.u32 $0x1, s6  }
0xc: {  	s5 =	sor.u32 s1, s5;
	s6 =	simm.s32 $0x1;
	s7 =	sadd.s32 s8, s7  }
0xd: {  	s5 =	sshrl.u32 s5, $0x1;
	[sflag:s6] =	ssyncpa.u1 $0x0;
	s7 =	sshll.u32 s7, $0x7  }
0xe: {  	[sflag:s31] =	ssyncpa.u1 $0x0;
	s14 =	smov.u32 s5;
	s8 =	sor.u32 $0x1, s7  }
.LBB1_4:
0xf: {  	s24 =	sshra.s32 s24, $0x2;
	s28 =	sshrl.u32 s10, $0x6  }
0x10: {  	p1 =	sgt.s32 s12, $0x1;
	s25 =	smov.u32 s12;
	s26 =	sshra.s32 s12, $0x1F  }
0x11: {  	s29 =	sshra.s32 s11, $0x1F;
	p2 =	sgt.s32 s10, $0x180;
	s31 =	sshra.s32 s10, $0x1F  }
0x12: {  	s23 =	sadd.s32 s24, s23;
	s24 =	sand.u32 $0x7FFFFE, s28;
	s25 =	simm.s32 @!p1 $0x1  }
0x13: {  	s26 =	sand.u32 s26, s12;
	p1 =	sgt.s32 s11, $0x1FF;
	s28 =	smov.u32 s11  }
0x14: {  	s29 =	sand.u32 s29, s11;
	s26 =	sxor.u32 $0xFFFFFFFF, s26;
	s28 =	simm.s32 @!p1 $0x1FF  }
0x15: {  	v5 =	vld [tilespmem:s21+$0xFFFFFFD0];
	[tilespmem:s22+$0x2040 ss:$0x81] =	vst.msk $0xffff, v4;
	s27 =	smulhi.u32 $0x2AAAAAB, s24;
	s25 =	sadd.s32 s26, s25;
	s26 =	ssub.s32 s28, s29  }
0x16: {  	v58 =	vld [tilespmem:s21+$0xFFFFFFE0];
	[tilespmem:s22+$0x2850 ss:$0x81] =	vst.msk $0xffff, v3;
	s28 =	smov.u32 s10;
	s29 =	sand.u32 s31, s10;
	s31 =	smul.u32 $0x300000, s12  }
0x17: {  	v59 =	vld [tilespmem:s21+$0xFFFFFFF0];
	[tilespmem:s22+$0x3060 ss:$0x81] =	vst.msk $0xffff, v2;
	p1 =	sgt.s32 s25, $0x0;
	s25 =	ssub.s32 $0x1, s25;
	s30 =	sadd.s32 $0xFFFFFE01, s26  }
0x18: {  	[tilespmem:s22+$0x0 ss:$0x81] =	vst.msk $0xffff, v1;
	v60 =	vld [tilespmem:s21+$0x0];
	s28 =	simm.s32 @!p2 $0x180;
	s22 =	smul.u32 $0x60, s27;
	s26 =	ssub.s32 $0x200, s26  }
0x19: {  	v61 =	vld [tilespmem:s21+$0x10];
	[tilespmem:s23+$0x3870 ss:$0x81] =	vst.msk $0xffff, v0;
	p2 =	sgt.s32 s30, $0x0;
	s25 =	smul.u32 $0x60, s25;
	s27 =	ssub.s32 s28, s29  }
0x1a: {  	v62 =	vld [tilespmem:s21+$0x20];
	[tilespmem:s23+$0x810 ss:$0x81] =	vst.msk $0xffff, v5;
	s28 =	sshrl.u32 s10, $0x3;
	s26 =	simm.s32 @p2 $0x0;
	s30 =	sadd.s32 $0xFFFFFE80, s27  }
0x1b: {  	v63 =	vld [tilespmem:s21+$0xFFFFFFC0];
	[tilespmem:s23+$0x1020 ss:$0x81] =	vst.msk $0xffff, v58;
	s21 =	ssub.s32 $0x200, s27;
	s27 =	smul.u32 $0x1800, s11;
	s25 =	simm.s32 @p1 $0x0  }
0x1c: {  	[tilespmem:s23+$0x1830 ss:$0x81] =	vst.msk $0xffff, v59;
	s29 =	sand.u32 $0x7, s10;
	p1 =	sgt.s32 s30, $0x7F;
	s25 =	smul.u32 s26, s25  }
0x1d: {  	[tilespmem:s23+$0x2040 ss:$0x81] =	vst.msk $0xffff, v60;
	s22 =	ssub.s32 s24, s22;
	s21 =	simm.s32 @p1 $0x0;
	s26 =	sadd.s32 s2, s31  }
0x1e: {  	[tilespmem:s23+$0x2850 ss:$0x81] =	vst.msk $0xffff, v61;
	s24 =	sadd.s32 s27, s26;
	s21 =	smul.u32 s21, s25;
	s25 =	sand.u32 $0xF, s28  }
0x1f: {  	[tilespmem:s23+$0x3060 ss:$0x81] =	vst.msk $0xffff, v62;
	s22 =	sshll.u32 s22, $0x6;
	s30 =	sshll.u32 s29, $0x12;
	s24 =	sadd.s32 s25, s24  }
0x20: {  	[tilespmem:s23+$0x0 ss:$0x81] =	vst.msk $0xffff, v63;
	s31 =	sor.u32 $0x400, s30;
	s21 =	sand.u32 $0x3FFFFFE0, s21;
	s22 =	sadd.s32 s22, s24  }
0x21: {  	[hbm4b:s22+s31] =	stream.strided.scatter [tilespmem:s20], [sflag:$0x2], s21, s9, s31, $0x20;
	[tilespmem:$0x10100] =	vst v63  }
.LBB1_5:
0x22: {  	p1 =	slt.u32 s16, $0x2;
	s21 =	smov.u32 s19  }
0x23: {  	p2 =	sgt.s32 @!p1 s19, $0x1;
	s20 =	sshra.s32 @!p1 s19, $0x1F;
	s22 =	sshra.s32 @!p1 s17, $0x1F  }
0x24: {  	p2 =	por !p2, p1;
	s19 =	sand.u32 @!p1 s20, s19;
	s20 =	smov.u32 s18  }
0x25: {  	s21 =	simm.s32 @p2 $0x1;
	s19 =	sxor.u32 @!p1 $0xFFFFFFFF, s19;
	p2 =	sgt.s32 @!p1 s18, $0x1FF  }
0x26: {  	s19 =	sadd.s32 @!p1 s19, s21;
	p3 =	por !p2, p1;
	s21 =	sshra.s32 @!p1 s18, $0x1F  }
0x27: {  	p2 =	sgt.s32 @!p1 s19, $0x0;
	s20 =	simm.s32 @p3 $0x1FF;
	s18 =	sand.u32 @!p1 s21, s18  }
0x28: {  	s19 =	ssub.s32 @!p1 $0x1, s19;
	p3 =	sgt.s32 @!p1 s17, $0x180;
	s21 =	smov.u32 s17  }
0x29: {  	s17 =	sand.u32 @!p1 s22, s17;
	s18 =	ssub.s32 @!p1 s20, s18;
	p3 =	por !p3, p1  }
0x2a: {  	s19 =	smul.u32 @!p1 $0x60, s19;
	s20 =	sadd.s32 @!p1 $0xFFFFFE01, s18;
	s21 =	simm.s32 @p3 $0x180  }
0x2b: {  	p2 =	por !p2, p1;
	p3 =	sgt.s32 @!p1 s20, $0x0;
	s17 =	ssub.s32 @!p1 s21, s17  }
0x2c: {  	s18 =	ssub.s32 @!p1 $0x200, s18;
	p3 =	por !p3, p1;
	s20 =	sadd.s32 @!p1 $0xFFFFFE80, s17  }
0x2d: {  	s19 =	simm.s32 @!p2 $0x0;
	s18 =	simm.s32 @!p3 $0x0;
	p3 =	sgt.s32 @!p1 s20, $0x7F  }
0x2e: {  	s17 =	ssub.s32 @!p1 $0x200, s17;
	p2 =	por !p3, p1;
	s18 =	smul.u32 @!p1 s18, s19  }
0x2f: {  	s21 =	smov.u32 s14;
	s20 =	sadd.s32 $0x80, s13;
	s17 =	simm.s32 @!p2 $0x0  }
0x30: {  	p2 =	sgt.s32 s20, $0x1FF;
	s17 =	smul.u32 @!p1 s17, s18;
	s18 =	sadd.s32 $0x10, s14  }
0x31: {  	s21 =	smov.u32 @p2 s18  }
0x32: {  	s23 =	smov.u32 s15;
	s18 =	sadd.s32 $0x2, s15;
	p3 =	sgt.s32 s21, $0x1FF  }
0x33: {  	p0 =	por !p0, !p0;
	s22 =	simm.s32 @!p1 $0x2;
	s23 =	smov.u32 @p3 s18  }
0x34: {  	s19 =	smov.u32 s12;
	s20 =	simm.s32 @p2 $0x0;
	p2 =	sgt.s32 s23, $0x1  }
0x35: {  	s17 =	sand.u32 @!p1 $0x3FFFFFE0, s17;
	s23 =	smov.u32 @p2 s3;
	p2 =	sne.s32 s16, s8  }
.Ltmp1:
0x36: {  	s12 =	smov.u32 s15;
	_ =	swait.ge @!p1 [sflag:s22], s17;
	(pc) =	sbr.rel @!p2 .LBB1_6-.Ltmp1, $4  }
0x37: {  	s24 =	ssub.s32 @!p1 $0x0, s17;
	s21 =	smov.u32 @p3 s5;
	s17 =	smov.u32 s10  }
0x38: {  	s18 =	smov.u32 s11;
	s10 =	smov.u32 s13;
	s11 =	smov.u32 s14  }
0x39: {  	s13 =	smov.u32 s20;
	[sflag:s22] =	ssyncset.done @!p1 $0x0;
	s14 =	smov.u32 s21  }
0x3a: {  	s16 =	sadd.s32 $0x1, s16;
	[sflag:s22] =	ssyncadd.s32 @!p1 s24;
	s15 =	smov.u32 s23  }
.LBB1_1:
0x3b: {  	p1 =	sge.u32 s16, s7  }
0x3c: {  	s31 =	sadd.s32 $0xFFFFFFFF, s16;
	s20 =	sxor.u32 @!p1 $0xFFFFFFFF, s16;
	s21 =	sshll.u32 @!p1 s15, $0x16  }
0x3d: {  	s22 =	sshll.u32 @!p1 s14, $0xD;
	s23 =	sshll.u32 @!p1 s13, $0x4;
	s21 =	sadd.s32 @!p1 s4, s21  }
0x3e: {  	s20 =	sshll.u32 @!p1 s20, $0xE;
	s23 =	sand.u32 @!p1 $0x1FF0, s23;
	s21 =	sadd.s32 @!p1 s22, s21  }
0x3f: {  	s20 =	sand.u32 @!p1 $0x4000, s20;
	s22 =	simm.s32 @!p1 $0x0;
	s21 =	sadd.s32 @!p1 s23, s21  }
0x40: {  	[tilespmem:s20], [sflag:$0x1] =	stream.linear.gather @!p1 [hbm4b:s21+s22], $0x4000, $0x38;
	[tilespmem:$0x10100] =	vst v63  }
0x41: {  	p1 =	sge.u32 s31, s7  }
.Ltmp2:
0x42: {  	_ = 	snop;
	(pc) =	sbr.rel @p1 .LBB1_5-.Ltmp2, $1  }
0x43: {  	_ =	sdelay $0x3  }
0x44: {  	s20 =	simm.s32 $0x1  }
0x45: {  	_ =	swait.ge [sflag:s6], $0x4000;
	s20 =	simm.s32 @!p0 $0x0  }
0x46: {  	[sflag:s6] =	ssyncset.done $0x0;
	s21 =	sshll.u32 s20, $0xE  }
0x47: {  	[sflag:s6] =	ssyncadd.s32 $0xFFFFC000;
	s21 =	sor.u32 $0x40, s21  }
0x48: {  	s20 =	smul.u32 $0x10200, s20;
	v0 =	vld [tilespmem:s21+$0x30]  }
0x49: {  	v1 =	vld [tilespmem:s21+$0xFFFFFFD0]  }
0x4a: {  	s20 =	sshrl.u32 s20, $0x2;
	v5 =	vld [tilespmem:s21+$0xFFFFFFE0]  }
0x4b: {  	v6 =	vld [tilespmem:s21+$0xFFFFFFF0];
	s23 =	sor.u32 $0x8000, s20  }
0x4c: {  	s31 =	sand.u32 $0x1, s16;
	v4 =	vld [tilespmem:s21+$0x0];
	s22 =	sadd.s32 $0x0, s23  }
0x4d: {  	v3 =	vld [tilespmem:s21+$0x10];
	s20 =	smul.u32 $0x10200, s31;
	[tilespmem:s22+$0x3870 ss:$0x81] =	vst.msk $0xffff, v0  }
0x4e: {  	v2 =	vld [tilespmem:s21+$0x20];
	[tilespmem:s22+$0x810 ss:$0x81] =	vst.msk $0xffff, v1  }
0x4f: {  	s20 =	sshrl.u32 s20, $0x2;
	v1 =	vld [tilespmem:s21+$0xFFFFFFC0];
	[tilespmem:s22+$0x1020 ss:$0x81] =	vst.msk $0xffff, v5;
	s21 =	sadd.s32 $0x80, s21  }
0x50: {  	s24 =	simm.s32 $0x4;
	s25 =	simm.s32 $0x8;
	s20 =	sor.u32 $0x8000, s20;
	[tilespmem:s22+$0x1830 ss:$0x81] =	vst.msk $0xffff, v6;
	v0 =	vld [tilespmem:s21+$0x30]  }
.LBB1_3:
0x51: {  	p1 =	sne.s32 s25, $0x1FC;
	v5 =	vld [tilespmem:s21+$0xFFFFFFD0];
	[tilespmem:s22+$0x2040 ss:$0x81] =	vst.msk $0xffff, v4  }
0x52: {  	v6 =	vld [tilespmem:s21+$0xFFFFFFE0];
	[tilespmem:s22+$0x2850 ss:$0x81] =	vst.msk $0xffff, v3  }
0x53: {  	s26 =	sshra.s32 s24, $0x2;
	s24 =	smov.u32 s25;
	v7 =	vld [tilespmem:s21+$0xFFFFFFF0];
	[tilespmem:s22+$0x3060 ss:$0x81] =	vst.msk $0xffff, v2  }
.Ltmp3:
0x54: {  	v4 =	vld [tilespmem:s21+$0x0];
	[tilespmem:s22+$0x0 ss:$0x81] =	vst.msk $0xffff, v1;
	s22 =	sadd.s32 s26, s23;
	(pc) =	sbr.rel @p1 .LBB1_3-.Ltmp3, $4  }
0x55: {  	v3 =	vld [tilespmem:s21+$0x10];
	[tilespmem:s22+$0x3870 ss:$0x81] =	vst.msk $0xffff, v0  }
0x56: {  	[tilespmem:s22+$0x810 ss:$0x81] =	vst.msk $0xffff, v5;
	v2 =	vld [tilespmem:s21+$0x20]  }
0x57: {  	v1 =	vld [tilespmem:s21+$0xFFFFFFC0];
	[tilespmem:s22+$0x1020 ss:$0x81] =	vst.msk $0xffff, v6;
	s21 =	sadd.s32 $0x80, s21  }
0x58: {  	s25 =	sadd.s32 $0x4, s25;
	v0 =	vld [tilespmem:s21+$0x30];
	[tilespmem:s22+$0x1830 ss:$0x81] =	vst.msk $0xffff, v7  }
.Ltmp4:
0x59: {  	_ = 	snop;
	(pc) =	sbr.rel .LBB1_4-.Ltmp4, $1  }
0x5a: {  	_ =	sdelay $0x3  }
.LBB1_6:
0x5b: {  	_ =	sfence.sel $0x180000  }
0x5c: {  	s2 =	simm.s32 $0x1;
	[bflag:$0x0] =	sbarrier.arrive $0xFFFF  }
0x5d: {  	s31 =	simm.s32 $0x2;
	[sflag:s2] =	ssyncpa.u1 $0x1  }
0x5e: {  	[sflag:s31] =	ssyncpa.u1 $0x1  }
0x5f: {  	p0 =	sne.s32 s1, $0x0;
	_ =	strace $0x9000004A  }
0x60: {  	s0 =	sadd.s32 @!p0 $0x100000, s0;
	[bflag:$0x2] =	sbarrier.arrive $0xFFFF  }
0x61: {  	[sflag:s0] =	ssyncadd.tile.s32 @!p0 $0x1;
	_ =	shalt  }
.Lfunc_end1:
_tile_overlayer_lowered:
.L_overlay_start_2:
0x62: {  	(tag) =	ssettag $0x2  }
0x63: {  	s0 =	rddreg [dreg:$0x0];
	s2 =	stileid.u32  }
0x64: {  	s1 =	rddreg [dreg:$0x1];
	p0 =	sne.s32 s2, $0x0  }
0x65: {  	s3 =	rddreg [dreg:$0x2];
	[bflag:$0x3] =	sbarrier.arrive $0xFFFF;
	s2 =	simm.s32 @!p0 $0x1C01  }
0x66: {  	[timem:s3], [sflag:s2] =	dma.local @!p0 [hbm:s0], s1  }
0x67: {  	s0 =	simm.s32 @!p0 $0x1  }
0x68: {  	_ =	swait.ge @!p0 [sflag:s0], s1  }
0x69: {  	s1 =	ssub.s32 @!p0 $0x0, s1;
	[sflag:s0] =	ssyncset.done @!p0 $0x0  }
0x6a: {  	[sflag:s0] =	ssyncadd.s32 @!p0 s1  }
0x6b: {  	[bflag:$0x3] =	sbarrier.arrive $0xFFFF  }
0x6c: {  	_ =	shalt  }

</sc_bundles>
